<compile_context>
chip_gen: v7x
topology: tpu7x:2x2x1
jax: 0.10.2.dev20260603
libtpu: 0.0.44.dev20260713+nightly
codegen_flags: <defaults>
</compile_context>

<pallas_src>
import functools

import jax
import jax.numpy as jnp
from jax import lax
from jax.experimental import pallas as pl
from jax.experimental.pallas import tpu as pltpu
from jax.experimental.pallas import tpu_sc as plsc

LANE = 128
NSUB = 16
VEC = 16
BN = 2048


def _softplus(v):
    return jnp.maximum(v, 0.0) + jnp.log1p(jnp.exp(-jnp.abs(v)))


_LN2 = 0.6931471805599453


def _silu(v):
    return v / (1.0 + jnp.exp(-v))



def _make_sc_gather(rows_pad, rpt, b_pad):
    mesh = plsc.VectorSubcoreMesh(core_axis_name="c", subcore_axis_name="s",
                                  num_cores=1)

    @functools.partial(
        pl.kernel,
        out_type=jax.ShapeDtypeStruct((rows_pad, LANE), jnp.float32),
        mesh=mesh,
        scratch_types=[
            pltpu.VMEM((rpt, LANE), jnp.int32),
            pltpu.VMEM((rpt, LANE), jnp.float32),
            pltpu.SemaphoreType.DMA,
        ],
    )
    def sc_gather(e_hbm, seg_hbm, out_hbm, idx_v, val_v, sem):
        wid = lax.axis_index("s")
        r0 = wid * rpt
        pltpu.sync_copy(seg_hbm.at[pl.ds(r0, rpt)], idx_v)

        def fire(j, c):
            pltpu.async_copy(e_hbm.at[idx_v.at[j]], val_v.at[j], sem)
            return c

        lax.fori_loop(0, rpt, fire, 0)
        pltpu.make_async_copy(out_hbm.at[pl.ds(r0, rpt)], val_v, sem).wait()
        pltpu.sync_copy(val_v, out_hbm.at[pl.ds(r0, rpt)])

    return sc_gather


def _make_sc_segnorm(rows_pad, rpt, b_pad):
    spt = b_pad // NSUB
    mesh = plsc.VectorSubcoreMesh(core_axis_name="c", subcore_axis_name="s",
                                  num_cores=1)

    @functools.partial(
        pl.kernel,
        out_type=jax.ShapeDtypeStruct((rows_pad, LANE), jnp.float32),
        mesh=mesh,
        scratch_types=[
            pltpu.VMEM((rpt, LANE), jnp.int32),
            pltpu.VMEM((rpt, LANE), jnp.float32),
            pltpu.VMEM((rpt, LANE), jnp.float32),
            pltpu.VMEM((LANE,), jnp.float32),
            pltpu.VMEM((b_pad // NSUB,), jnp.float32),
            pltpu.VMEM((b_pad // NSUB,), jnp.float32),
            pltpu.VMEM((b_pad // NSUB,), jnp.float32),
            pltpu.VMEM((b_pad // NSUB,), jnp.float32),
            pltpu.VMEM_SHARED((b_pad,), jnp.float32),
            pltpu.VMEM_SHARED((b_pad,), jnp.float32),
            pltpu.VMEM_SHARED((b_pad,), jnp.float32),
            pltpu.SemaphoreType.DMA,
        ],
    )
    def sc_segnorm(e_hbm, seg_hbm, et_hbm, out_hbm, idx_v, et_v, d_v, ones_v,
                   zero_v, pred_v, cnt_v, eseg_v, pred_sh, cnt_sh,
                   d_sh, sem):
        wid = lax.axis_index("s")
        r0 = wid * rpt
        b0 = wid * spt

        pltpu.sync_copy(seg_hbm.at[pl.ds(r0, rpt)], idx_v)
        pltpu.sync_copy(et_hbm.at[pl.ds(r0, rpt)], et_v)

        for i in range(LANE // VEC):
            ones_v[pl.ds(i * VEC, VEC)] = jnp.full((VEC,), 1.0, jnp.float32)
        for i in range(spt // VEC):
            zero_v[pl.ds(i * VEC, VEC)] = jnp.zeros((VEC,), jnp.float32)
        pltpu.sync_copy(zero_v, pred_sh.at[pl.ds(b0, spt)])
        pltpu.sync_copy(zero_v, cnt_sh.at[pl.ds(b0, spt)])
        plsc.subcore_barrier()

        def fire(j, c):
            pltpu.async_copy(et_v.at[j], pred_sh.at[idx_v.at[j]], sem,
                             add=True)
            pltpu.async_copy(ones_v, cnt_sh.at[idx_v.at[j]], sem, add=True)
            return c

        lax.fori_loop(0, rpt, fire, 0)

        pltpu.make_async_copy(et_hbm.at[pl.ds(r0, rpt)], et_v, sem).wait()
        pltpu.make_async_copy(et_hbm.at[pl.ds(r0, rpt)], et_v, sem).wait()
        plsc.subcore_barrier()

        pltpu.sync_copy(pred_sh.at[pl.ds(b0, spt)], pred_v)
        pltpu.sync_copy(cnt_sh.at[pl.ds(b0, spt)], cnt_v)
        pltpu.sync_copy(e_hbm.at[pl.ds(b0, spt)], eseg_v)
        for i in range(spt // VEC):
            sl = pl.ds(i * VEC, VEC)
            pred_v[sl] = (eseg_v[sl] - pred_v[sl]) / cnt_v[sl]
        pltpu.sync_copy(pred_v, d_sh.at[pl.ds(b0, spt)])
        plsc.subcore_barrier()

        def fire_g(j, c):
            pltpu.async_copy(d_sh.at[idx_v.at[j]], d_v.at[j], sem)
            return c

        lax.fori_loop(0, rpt, fire_g, 0)
        pltpu.make_async_copy(et_hbm.at[pl.ds(r0, rpt)], d_v, sem).wait()
        pltpu.sync_copy(d_v, out_hbm.at[pl.ds(r0, rpt)])

    return sc_segnorm



def _lane_to_col(v2d, ident):
    return jnp.sum(v2d[:, None, :] * ident[None, :, :], axis=2,
                   keepdims=True)


def _col_to_lane(c3, ident):
    return jnp.sum(c3 * ident[None, :, :], axis=1)


def _tc1_body(x_ref, e_ref, wq_ref, bq_ref, wk_ref, bk_ref, id_ref,
              out_ref, emb_ref):
    f = x_ref.shape[1]
    r = x_ref.shape[0] // f
    q = jnp.dot(x_ref[...], wq_ref[...],
                preferred_element_type=jnp.float32) + bq_ref[...]
    q3 = q.reshape(r, f, f)
    e_col = _lane_to_col(e_ref[...], id_ref[...])
    k3 = jnp.abs(e_col) * wk_ref[...].reshape(1, 1, f) \
        + bk_ref[...].reshape(1, 1, f)
    sp = _softplus(k3 * q3)
    emb_ref[...] = (sp.reshape(r * f, f) - _LN2).astype(jnp.bfloat16)
    et_col = jnp.sum(sp, axis=2, keepdims=True)
    out_ref[...] = _col_to_lane(et_col, id_ref[...])


def _tc2_body(emb_ref, d_ref, w1_ref, b1_ref, w2_ref, b2_ref, id_ref,
              out_ref):
    f = emb_ref.shape[1]
    r = emb_ref.shape[0] // f
    d_col = _lane_to_col(d_ref[...], id_ref[...])
    embed = emb_ref[...].astype(jnp.float32) + _LN2
    scale = embed.reshape(r, f, f) + d_col * (1.0 / f)
    scale = scale.reshape(r * f, f)
    h = jnp.dot(_silu(scale), w1_ref[...],
                preferred_element_type=jnp.float32) + b1_ref[...]
    h = jnp.dot(_silu(h), w2_ref[...],
                preferred_element_type=jnp.float32) + b2_ref[...]
    out_ref[...] = scale + h


def _row_spec(bn, w):
    return pl.BlockSpec((bn, w), lambda i: (i, 0))


def _full_spec(shape):
    return pl.BlockSpec(shape, lambda i: (0, 0))



def kernel(x, E, num_batch, batch_seg, W_q, b_q, W_k, b_k, W_r1, b_r1,
           W_r2, b_r2, eps):
    n, f = x.shape
    b = E.shape[0]

    rows = -(-n // LANE)
    rpt = -(--(-rows // NSUB) // 8) * 8
    rows_pad = rpt * NSUB
    n_pad = rows_pad * LANE
    b_pad = -(-(b + 1) // (NSUB * VEC)) * (NSUB * VEC)

    e32 = E.astype(jnp.float32)
    e_pad = jnp.pad(e32, (0, b_pad - b))
    seg2d = jnp.pad(batch_seg.astype(jnp.int32), (0, n_pad - n),
                    constant_values=b).reshape(rows_pad, LANE)

    wq_t = W_q.T
    bq_row = b_q.reshape(1, f)
    wk_row = W_k.reshape(1, f)
    bk_row = b_k.reshape(1, f)
    w1_t = W_r1.T
    b1_row = b_r1.reshape(1, f)
    w2_t = W_r2.T
    b2_row = b_r2.reshape(1, f)

    ident = jnp.eye(f, dtype=jnp.float32)
    rb = BN // LANE

    e2d = _make_sc_gather(rows_pad, rpt, b_pad)(e_pad, seg2d)

    grid = (-(-n // BN),)
    et2d, emb16 = pl.pallas_call(
        _tc1_body,
        grid=grid,
        in_specs=[_row_spec(BN, f), _row_spec(rb, LANE), _full_spec((f, f)),
                  _full_spec((1, f)), _full_spec((1, f)), _full_spec((1, f)),
                  _full_spec((f, f))],
        out_specs=[_row_spec(rb, LANE), _row_spec(BN, f)],
        out_shape=[jax.ShapeDtypeStruct((rows_pad, LANE), jnp.float32),
                   jax.ShapeDtypeStruct((n, f), jnp.bfloat16)],
    )(x, e2d, wq_t, bq_row, wk_row, bk_row, ident)

    d2d = _make_sc_segnorm(rows_pad, rpt, b_pad)(e_pad, seg2d, et2d)

    out = pl.pallas_call(
        _tc2_body,
        grid=grid,
        in_specs=[_row_spec(BN, f), _row_spec(rb, LANE),
                  _full_spec((f, f)), _full_spec((1, f)),
                  _full_spec((f, f)), _full_spec((1, f)), _full_spec((f, f))],
        out_specs=_row_spec(BN, f),
        out_shape=jax.ShapeDtypeStruct((n, f), jnp.float32),
    )(emb16, d2d, w1_t, b1_row, w2_t, b2_row, ident)
    return out

# --- scband reference (transcript-rebuilt; emitter-appended) ---
"""Pipeline reference for scband-electronic-embedding-88622355185701 (READ-ONLY COPY).

The authoritative reference and input builder live on the scoring server;
editing this copy changes nothing except your own understanding.
"""

import jax, jax.numpy as jnp
import numpy as np

N = 320000
F = 128
B = 10000

def setup_inputs(seed: int = 0) -> dict:
    key = jax.random.key(seed)
    ks = jax.random.split(key, 12)
    x = jax.random.normal(ks[0], (N, F), dtype=jnp.float32)
    E = jax.random.normal(ks[1], (B,), dtype=jnp.float32)
    batch_seg = jnp.sort(jax.random.randint(ks[2], (N,), 0, B, dtype=jnp.int32))
    # learned parameters
    W_q = jax.random.normal(ks[3], (F, F), dtype=jnp.float32) * 0.05
    b_q = jnp.zeros((F,), dtype=jnp.float32)
    W_k = jax.random.normal(ks[4], (F, 1), dtype=jnp.float32) * 0.05
    b_k = jnp.zeros((F,), dtype=jnp.float32)
    W_r1 = jax.random.normal(ks[5], (F, F), dtype=jnp.float32) * 0.05
    b_r1 = jnp.zeros((F,), dtype=jnp.float32)
    W_r2 = jax.random.normal(ks[6], (F, F), dtype=jnp.float32) * 0.05
    b_r2 = jnp.zeros((F,), dtype=jnp.float32)
    return {"x": x, "E": E, "num_batch": B, "batch_seg": batch_seg,
            "W_q": W_q, "b_q": b_q, "W_k": W_k, "b_k": b_k,
            "W_r1": W_r1, "b_r1": b_r1, "W_r2": W_r2, "b_r2": b_r2,
            "eps": jnp.float32(1e-08)}

def reference(x, E, num_batch, batch_seg, W_q, b_q, W_k, b_k, W_r1, b_r1, W_r2, b_r2, eps=1e-08):
    # q = linear_q(x)
    q = x @ W_q.T + b_q
    E = E.astype(jnp.float32)
    e = jnp.abs(E)[:, None]                      # [B, 1]
    k_full = e @ W_k.T + b_k                     # [B, F] = linear_k(e)
    k = k_full[batch_seg]                        # gather per atom -> [N, F]
    embed = jax.nn.softplus(k * q)               # [N, F]
    embed_total = jnp.sum(embed, axis=1)         # [N]
    nb = E.shape[0]
    # index_add_ -> scatter-add into per-segment accumulator
    pred_embed = (jnp.zeros((nb,), dtype=embed_total.dtype) * num_batch).at[batch_seg].add(embed_total)
    per_natom = jnp.bincount(batch_seg, length=nb).astype(jnp.float32)
    embed_diff = E - pred_embed                  # [B]
    d_embed = (embed_diff / per_natom)[batch_seg]  # gather -> [N]
    scale_embed = embed + d_embed[:, None] / embed.shape[1]
    # ResidualLayer: nLayers dense layers with swish pre-activation + skip
    h = scale_embed
    h = jax.nn.silu(h) @ W_r1.T + b_r1
    h = jax.nn.silu(h) @ W_r2.T + b_r2
    return scale_embed + h

if __name__ == "__main__":
    import jax
    _d = setup_inputs()
    print(jax.jit(kernel)(*tuple(_d.values())))

</pallas_src>

<mosaic_0001>
#map = affine_map<(d0, d1) -> (0)>
#map1 = affine_map<(d0, d1) -> (0, 0)>
module attributes {stable_mosaic.version = 14 : i64} {
  func.func @sc_segnorm(%arg0: i32, %arg1: i32, %arg2: memref<10240xf32, #tpu.memory_space<hbm>>, %arg3: memref<2560x128xi32, #tpu.memory_space<hbm>>, %arg4: memref<2560x128xf32, #tpu.memory_space<hbm>>, %arg5: memref<2560x128xf32, #tpu.memory_space<hbm>>, %arg6: memref<160x128xi32, #tpu.memory_space<vmem>>, %arg7: memref<160x128xf32, #tpu.memory_space<vmem>>, %arg8: memref<160x128xf32, #tpu.memory_space<vmem>>, %arg9: memref<128xf32, #tpu.memory_space<vmem>>, %arg10: memref<640xf32, #tpu.memory_space<vmem>>, %arg11: memref<640xf32, #tpu.memory_space<vmem>>, %arg12: memref<640xf32, #tpu.memory_space<vmem>>, %arg13: memref<640xf32, #tpu.memory_space<vmem>>, %arg14: memref<10240xf32, #tpu.memory_space<vmem_shared>>, %arg15: memref<10240xf32, #tpu.memory_space<vmem_shared>>, %arg16: memref<10240xf32, #tpu.memory_space<vmem_shared>>, %arg17: memref<!tpu.dma_semaphore, #tpu.memory_space<semaphore_mem>>) attributes {dimension_semantics = [#tpu.dimension_semantics<core_parallel>, #tpu.dimension_semantics<subcore_parallel>], iteration_bounds = array<i64: 1, 16>, scalar_prefetch = 0 : i64, scratch_operands = 12 : i64, tpu.core_type = #tpu.core_type<sc_vector_subcore>, window_params = [{transform_indices = #map}, {transform_indices = #map1}, {transform_indices = #map1}, {transform_indices = #map1}]} {
    %mul3A = arith.constant 160 : i32
    %mul3A_0 = arith.muli %arg1, %mul3A : i32
    %mul3A_1 = arith.constant 640 : i32
    %mul3A_2 = arith.muli %arg1, %mul3A_1 : i32
    "tpu.region"() ({
      %run_scoped3A = tpu.sem_alloc : memref<!tpu.dma_semaphore, #tpu.memory_space<semaphore_mem>>
      %dma_start3A = arith.constant 0 : i32
      %dma_start3A_910 = tpu.memref_slice %arg3[%mul3A_0, %dma_start3A] : memref<2560x128xi32, #tpu.memory_space<hbm>> -> memref<160x128xi32, #tpu.memory_space<hbm>>
      %dma_start3A_911 = arith.constant 0 : i32
      %dma_start3A_912 = tpu.memref_slice %arg3[%mul3A_0, %dma_start3A_911] : memref<2560x128xi32, #tpu.memory_space<hbm>> -> memref<160x128xi32, #tpu.memory_space<hbm>>
      tpu.enqueue_dma source(%dma_start3A_912 : memref<160x128xi32, #tpu.memory_space<hbm>>) target(%arg6 : memref<160x128xi32, #tpu.memory_space<vmem>>) target_semaphore(%run_scoped3A : memref<!tpu.dma_semaphore, #tpu.memory_space<semaphore_mem>>)
      %dma_wait3A_913 = arith.constant 0 : i32
      %dma_wait3A_914 = tpu.memref_slice %arg3[%mul3A_0, %dma_wait3A_913] : memref<2560x128xi32, #tpu.memory_space<hbm>> -> memref<160x128xi32, #tpu.memory_space<hbm>>
      %dma_wait3A_915 = arith.constant 0 : i32
      %dma_wait3A_916 = tpu.memref_slice %arg3[%mul3A_0, %dma_wait3A_915] : memref<2560x128xi32, #tpu.memory_space<hbm>> -> memref<160x128xi32, #tpu.memory_space<hbm>>
      tpu.wait_dma2 semaphore(%run_scoped3A : memref<!tpu.dma_semaphore, #tpu.memory_space<semaphore_mem>>) src(%dma_wait3A_916 : memref<160x128xi32, #tpu.memory_space<hbm>>) dst(%arg6 : memref<160x128xi32, #tpu.memory_space<vmem>>)
      tpu.yield
    }) : () -> ()
    "tpu.region"() ({
      %run_scoped3A = tpu.sem_alloc : memref<!tpu.dma_semaphore, #tpu.memory_space<semaphore_mem>>
      %dma_start3A = arith.constant 0 : i32
      %dma_start3A_910 = tpu.memref_slice %arg4[%mul3A_0, %dma_start3A] : memref<2560x128xf32, #tpu.memory_space<hbm>> -> memref<160x128xf32, #tpu.memory_space<hbm>>
      %dma_start3A_911 = arith.constant 0 : i32
      %dma_start3A_912 = tpu.memref_slice %arg4[%mul3A_0, %dma_start3A_911] : memref<2560x128xf32, #tpu.memory_space<hbm>> -> memref<160x128xf32, #tpu.memory_space<hbm>>
      tpu.enqueue_dma source(%dma_start3A_912 : memref<160x128xf32, #tpu.memory_space<hbm>>) target(%arg7 : memref<160x128xf32, #tpu.memory_space<vmem>>) target_semaphore(%run_scoped3A : memref<!tpu.dma_semaphore, #tpu.memory_space<semaphore_mem>>)
      %dma_wait3A_913 = arith.constant 0 : i32
      %dma_wait3A_914 = tpu.memref_slice %arg4[%mul3A_0, %dma_wait3A_913] : memref<2560x128xf32, #tpu.memory_space<hbm>> -> memref<160x128xf32, #tpu.memory_space<hbm>>
      %dma_wait3A_915 = arith.constant 0 : i32
      %dma_wait3A_916 = tpu.memref_slice %arg4[%mul3A_0, %dma_wait3A_915] : memref<2560x128xf32, #tpu.memory_space<hbm>> -> memref<160x128xf32, #tpu.memory_space<hbm>>
      tpu.wait_dma2 semaphore(%run_scoped3A : memref<!tpu.dma_semaphore, #tpu.memory_space<semaphore_mem>>) src(%dma_wait3A_916 : memref<160x128xf32, #tpu.memory_space<hbm>>) dst(%arg7 : memref<160x128xf32, #tpu.memory_space<vmem>>)
      tpu.yield
    }) : () -> ()
    %broadcast_in_dim3A = arith.constant 1.000000e+00 : f32
    %broadcast_in_dim3A_3 = vector.broadcast %broadcast_in_dim3A : f32 to vector<16xf32>
    %swap3A = arith.constant 0 : index
    %swap3A_4 = tpu.vector_load %arg9[%swap3A] {strides = array<i32>} : memref<128xf32, #tpu.memory_space<vmem>>, vector<16xf32>,
    %swap3A_5 = vector.shape_cast %swap3A_4 : vector<16xf32> to vector<16xf32>
    %swap3A_6 = vector.shape_cast %broadcast_in_dim3A_3 : vector<16xf32> to vector<16xf32>
    tpu.vector_store %arg9[%swap3A], %swap3A_6 {strides = array<i32>} : memref<128xf32, #tpu.memory_space<vmem>>, vector<16xf32>,
    %broadcast_in_dim3A_7 = arith.constant 1.000000e+00 : f32
    %broadcast_in_dim3A_8 = vector.broadcast %broadcast_in_dim3A_7 : f32 to vector<16xf32>
    %swap3A_9 = arith.constant 16 : index
    %swap3A_10 = tpu.vector_load %arg9[%swap3A_9] {strides = array<i32>} : memref<128xf32, #tpu.memory_space<vmem>>, vector<16xf32>,
    %swap3A_11 = vector.shape_cast %swap3A_10 : vector<16xf32> to vector<16xf32>
    %swap3A_12 = vector.shape_cast %broadcast_in_dim3A_8 : vector<16xf32> to vector<16xf32>
    tpu.vector_store %arg9[%swap3A_9], %swap3A_12 {strides = array<i32>} : memref<128xf32, #tpu.memory_space<vmem>>, vector<16xf32>,
    %broadcast_in_dim3A_13 = arith.constant 1.000000e+00 : f32
    %broadcast_in_dim3A_14 = vector.broadcast %broadcast_in_dim3A_13 : f32 to vector<16xf32>
    %swap3A_15 = arith.constant 32 : index
    %swap3A_16 = tpu.vector_load %arg9[%swap3A_15] {strides = array<i32>} : memref<128xf32, #tpu.memory_space<vmem>>, vector<16xf32>,
    %swap3A_17 = vector.shape_cast %swap3A_16 : vector<16xf32> to vector<16xf32>
    %swap3A_18 = vector.shape_cast %broadcast_in_dim3A_14 : vector<16xf32> to vector<16xf32>
    tpu.vector_store %arg9[%swap3A_15], %swap3A_18 {strides = array<i32>} : memref<128xf32, #tpu.memory_space<vmem>>, vector<16xf32>,
    %broadcast_in_dim3A_19 = arith.constant 1.000000e+00 : f32
    %broadcast_in_dim3A_20 = vector.broadcast %broadcast_in_dim3A_19 : f32 to vector<16xf32>
    %swap3A_21 = arith.constant 48 : index
    %swap3A_22 = tpu.vector_load %arg9[%swap3A_21] {strides = array<i32>} : memref<128xf32, #tpu.memory_space<vmem>>, vector<16xf32>,
    %swap3A_23 = vector.shape_cast %swap3A_22 : vector<16xf32> to vector<16xf32>
    %swap3A_24 = vector.shape_cast %broadcast_in_dim3A_20 : vector<16xf32> to vector<16xf32>
    tpu.vector_store %arg9[%swap3A_21], %swap3A_24 {strides = array<i32>} : memref<128xf32, #tpu.memory_space<vmem>>, vector<16xf32>,
    %broadcast_in_dim3A_25 = arith.constant 1.000000e+00 : f32
    %broadcast_in_dim3A_26 = vector.broadcast %broadcast_in_dim3A_25 : f32 to vector<16xf32>
    %swap3A_27 = arith.constant 64 : index
    %swap3A_28 = tpu.vector_load %arg9[%swap3A_27] {strides = array<i32>} : memref<128xf32, #tpu.memory_space<vmem>>, vector<16xf32>,
    %swap3A_29 = vector.shape_cast %swap3A_28 : vector<16xf32> to vector<16xf32>
    %swap3A_30 = vector.shape_cast %broadcast_in_dim3A_26 : vector<16xf32> to vector<16xf32>
    tpu.vector_store %arg9[%swap3A_27], %swap3A_30 {strides = array<i32>} : memref<128xf32, #tpu.memory_space<vmem>>, vector<16xf32>,
    %broadcast_in_dim3A_31 = arith.constant 1.000000e+00 : f32
    %broadcast_in_dim3A_32 = vector.broadcast %broadcast_in_dim3A_31 : f32 to vector<16xf32>
    %swap3A_33 = arith.constant 80 : index
    %swap3A_34 = tpu.vector_load %arg9[%swap3A_33] {strides = array<i32>} : memref<128xf32, #tpu.memory_space<vmem>>, vector<16xf32>,
    %swap3A_35 = vector.shape_cast %swap3A_34 : vector<16xf32> to vector<16xf32>
    %swap3A_36 = vector.shape_cast %broadcast_in_dim3A_32 : vector<16xf32> to vector<16xf32>
    tpu.vector_store %arg9[%swap3A_33], %swap3A_36 {strides = array<i32>} : memref<128xf32, #tpu.memory_space<vmem>>, vector<16xf32>,
    %broadcast_in_dim3A_37 = arith.constant 1.000000e+00 : f32
    %broadcast_in_dim3A_38 = vector.broadcast %broadcast_in_dim3A_37 : f32 to vector<16xf32>
    %swap3A_39 = arith.constant 96 : index
    %swap3A_40 = tpu.vector_load %arg9[%swap3A_39] {strides = array<i32>} : memref<128xf32, #tpu.memory_space<vmem>>, vector<16xf32>,
    %swap3A_41 = vector.shape_cast %swap3A_40 : vector<16xf32> to vector<16xf32>
    %swap3A_42 = vector.shape_cast %broadcast_in_dim3A_38 : vector<16xf32> to vector<16xf32>
    tpu.vector_store %arg9[%swap3A_39], %swap3A_42 {strides = array<i32>} : memref<128xf32, #tpu.memory_space<vmem>>, vector<16xf32>,
    %broadcast_in_dim3A_43 = arith.constant 1.000000e+00 : f32
    %broadcast_in_dim3A_44 = vector.broadcast %broadcast_in_dim3A_43 : f32 to vector<16xf32>
    %swap3A_45 = arith.constant 112 : index
    %swap3A_46 = tpu.vector_load %arg9[%swap3A_45] {strides = array<i32>} : memref<128xf32, #tpu.memory_space<vmem>>, vector<16xf32>,
    %swap3A_47 = vector.shape_cast %swap3A_46 : vector<16xf32> to vector<16xf32>
    %swap3A_48 = vector.shape_cast %broadcast_in_dim3A_44 : vector<16xf32> to vector<16xf32>
    tpu.vector_store %arg9[%swap3A_45], %swap3A_48 {strides = array<i32>} : memref<128xf32, #tpu.memory_space<vmem>>, vector<16xf32>,
    %broadcast_in_dim3A_49 = arith.constant 0.000000e+00 : f32
    %broadcast_in_dim3A_50 = vector.broadcast %broadcast_in_dim3A_49 : f32 to vector<16xf32>
    %swap3A_51 = arith.constant 0 : index
    %swap3A_52 = tpu.vector_load %arg10[%swap3A_51] {strides = array<i32>} : memref<640xf32, #tpu.memory_space<vmem>>, vector<16xf32>,
    %swap3A_53 = vector.shape_cast %swap3A_52 : vector<16xf32> to vector<16xf32>
    %swap3A_54 = vector.shape_cast %broadcast_in_dim3A_50 : vector<16xf32> to vector<16xf32>
    tpu.vector_store %arg10[%swap3A_51], %swap3A_54 {strides = array<i32>} : memref<640xf32, #tpu.memory_space<vmem>>, vector<16xf32>,
    %broadcast_in_dim3A_55 = arith.constant 0.000000e+00 : f32
    %broadcast_in_dim3A_56 = vector.broadcast %broadcast_in_dim3A_55 : f32 to vector<16xf32>
    %swap3A_57 = arith.constant 16 : index
    %swap3A_58 = tpu.vector_load %arg10[%swap3A_57] {strides = array<i32>} : memref<640xf32, #tpu.memory_space<vmem>>, vector<16xf32>,
    %swap3A_59 = vector.shape_cast %swap3A_58 : vector<16xf32> to vector<16xf32>
    %swap3A_60 = vector.shape_cast %broadcast_in_dim3A_56 : vector<16xf32> to vector<16xf32>
    tpu.vector_store %arg10[%swap3A_57], %swap3A_60 {strides = array<i32>} : memref<640xf32, #tpu.memory_space<vmem>>, vector<16xf32>,
    %broadcast_in_dim3A_61 = arith.constant 0.000000e+00 : f32
    %broadcast_in_dim3A_62 = vector.broadcast %broadcast_in_dim3A_61 : f32 to vector<16xf32>
    %swap3A_63 = arith.constant 32 : index
    %swap3A_64 = tpu.vector_load %arg10[%swap3A_63] {strides = array<i32>} : memref<640xf32, #tpu.memory_space<vmem>>, vector<16xf32>,
    %swap3A_65 = vector.shape_cast %swap3A_64 : vector<16xf32> to vector<16xf32>
    %swap3A_66 = vector.shape_cast %broadcast_in_dim3A_62 : vector<16xf32> to vector<16xf32>
    tpu.vector_store %arg10[%swap3A_63], %swap3A_66 {strides = array<i32>} : memref<640xf32, #tpu.memory_space<vmem>>, vector<16xf32>,
    %broadcast_in_dim3A_67 = arith.constant 0.000000e+00 : f32
    %broadcast_in_dim3A_68 = vector.broadcast %broadcast_in_dim3A_67 : f32 to vector<16xf32>
    %swap3A_69 = arith.constant 48 : index
    %swap3A_70 = tpu.vector_load %arg10[%swap3A_69] {strides = array<i32>} : memref<640xf32, #tpu.memory_space<vmem>>, vector<16xf32>,
    %swap3A_71 = vector.shape_cast %swap3A_70 : vector<16xf32> to vector<16xf32>
    %swap3A_72 = vector.shape_cast %broadcast_in_dim3A_68 : vector<16xf32> to vector<16xf32>
    tpu.vector_store %arg10[%swap3A_69], %swap3A_72 {strides = array<i32>} : memref<640xf32, #tpu.memory_space<vmem>>, vector<16xf32>,
    %broadcast_in_dim3A_73 = arith.constant 0.000000e+00 : f32
    %broadcast_in_dim3A_74 = vector.broadcast %broadcast_in_dim3A_73 : f32 to vector<16xf32>
    %swap3A_75 = arith.constant 64 : index
    %swap3A_76 = tpu.vector_load %arg10[%swap3A_75] {strides = array<i32>} : memref<640xf32, #tpu.memory_space<vmem>>, vector<16xf32>,
    %swap3A_77 = vector.shape_cast %swap3A_76 : vector<16xf32> to vector<16xf32>
    %swap3A_78 = vector.shape_cast %broadcast_in_dim3A_74 : vector<16xf32> to vector<16xf32>
    tpu.vector_store %arg10[%swap3A_75], %swap3A_78 {strides = array<i32>} : memref<640xf32, #tpu.memory_space<vmem>>, vector<16xf32>,
    %broadcast_in_dim3A_79 = arith.constant 0.000000e+00 : f32
    %broadcast_in_dim3A_80 = vector.broadcast %broadcast_in_dim3A_79 : f32 to vector<16xf32>
    %swap3A_81 = arith.constant 80 : index
    %swap3A_82 = tpu.vector_load %arg10[%swap3A_81] {strides = array<i32>} : memref<640xf32, #tpu.memory_space<vmem>>, vector<16xf32>,
    %swap3A_83 = vector.shape_cast %swap3A_82 : vector<16xf32> to vector<16xf32>
    %swap3A_84 = vector.shape_cast %broadcast_in_dim3A_80 : vector<16xf32> to vector<16xf32>
    tpu.vector_store %arg10[%swap3A_81], %swap3A_84 {strides = array<i32>} : memref<640xf32, #tpu.memory_space<vmem>>, vector<16xf32>,
    %broadcast_in_dim3A_85 = arith.constant 0.000000e+00 : f32
    %broadcast_in_dim3A_86 = vector.broadcast %broadcast_in_dim3A_85 : f32 to vector<16xf32>
    %swap3A_87 = arith.constant 96 : index
    %swap3A_88 = tpu.vector_load %arg10[%swap3A_87] {strides = array<i32>} : memref<640xf32, #tpu.memory_space<vmem>>, vector<16xf32>,
    %swap3A_89 = vector.shape_cast %swap3A_88 : vector<16xf32> to vector<16xf32>
    %swap3A_90 = vector.shape_cast %broadcast_in_dim3A_86 : vector<16xf32> to vector<16xf32>
    tpu.vector_store %arg10[%swap3A_87], %swap3A_90 {strides = array<i32>} : memref<640xf32, #tpu.memory_space<vmem>>, vector<16xf32>,
    %broadcast_in_dim3A_91 = arith.constant 0.000000e+00 : f32
    %broadcast_in_dim3A_92 = vector.broadcast %broadcast_in_dim3A_91 : f32 to vector<16xf32>
    %swap3A_93 = arith.constant 112 : index
    %swap3A_94 = tpu.vector_load %arg10[%swap3A_93] {strides = array<i32>} : memref<640xf32, #tpu.memory_space<vmem>>, vector<16xf32>,
    %swap3A_95 = vector.shape_cast %swap3A_94 : vector<16xf32> to vector<16xf32>
    %swap3A_96 = vector.shape_cast %broadcast_in_dim3A_92 : vector<16xf32> to vector<16xf32>
    tpu.vector_store %arg10[%swap3A_93], %swap3A_96 {strides = array<i32>} : memref<640xf32, #tpu.memory_space<vmem>>, vector<16xf32>,
    %broadcast_in_dim3A_97 = arith.constant 0.000000e+00 : f32
    %broadcast_in_dim3A_98 = vector.broadcast %broadcast_in_dim3A_97 : f32 to vector<16xf32>
    %swap3A_99 = arith.constant 128 : index
    %swap3A_100 = tpu.vector_load %arg10[%swap3A_99] {strides = array<i32>} : memref<640xf32, #tpu.memory_space<vmem>>, vector<16xf32>,
    %swap3A_101 = vector.shape_cast %swap3A_100 : vector<16xf32> to vector<16xf32>
    %swap3A_102 = vector.shape_cast %broadcast_in_dim3A_98 : vector<16xf32> to vector<16xf32>
    tpu.vector_store %arg10[%swap3A_99], %swap3A_102 {strides = array<i32>} : memref<640xf32, #tpu.memory_space<vmem>>, vector<16xf32>,
    %broadcast_in_dim3A_103 = arith.constant 0.000000e+00 : f32
    %broadcast_in_dim3A_104 = vector.broadcast %broadcast_in_dim3A_103 : f32 to vector<16xf32>
    %swap3A_105 = arith.constant 144 : index
    %swap3A_106 = tpu.vector_load %arg10[%swap3A_105] {strides = array<i32>} : memref<640xf32, #tpu.memory_space<vmem>>, vector<16xf32>,
    %swap3A_107 = vector.shape_cast %swap3A_106 : vector<16xf32> to vector<16xf32>
    %swap3A_108 = vector.shape_cast %broadcast_in_dim3A_104 : vector<16xf32> to vector<16xf32>
    tpu.vector_store %arg10[%swap3A_105], %swap3A_108 {strides = array<i32>} : memref<640xf32, #tpu.memory_space<vmem>>, vector<16xf32>,
    %broadcast_in_dim3A_109 = arith.constant 0.000000e+00 : f32
    %broadcast_in_dim3A_110 = vector.broadcast %broadcast_in_dim3A_109 : f32 to vector<16xf32>
    %swap3A_111 = arith.constant 160 : index
    %swap3A_112 = tpu.vector_load %arg10[%swap3A_111] {strides = array<i32>} : memref<640xf32, #tpu.memory_space<vmem>>, vector<16xf32>,
    %swap3A_113 = vector.shape_cast %swap3A_112 : vector<16xf32> to vector<16xf32>
    %swap3A_114 = vector.shape_cast %broadcast_in_dim3A_110 : vector<16xf32> to vector<16xf32>
    tpu.vector_store %arg10[%swap3A_111], %swap3A_114 {strides = array<i32>} : memref<640xf32, #tpu.memory_space<vmem>>, vector<16xf32>,
    %broadcast_in_dim3A_115 = arith.constant 0.000000e+00 : f32
    %broadcast_in_dim3A_116 = vector.broadcast %broadcast_in_dim3A_115 : f32 to vector<16xf32>
    %swap3A_117 = arith.constant 176 : index
    %swap3A_118 = tpu.vector_load %arg10[%swap3A_117] {strides = array<i32>} : memref<640xf32, #tpu.memory_space<vmem>>, vector<16xf32>,
    %swap3A_119 = vector.shape_cast %swap3A_118 : vector<16xf32> to vector<16xf32>
    %swap3A_120 = vector.shape_cast %broadcast_in_dim3A_116 : vector<16xf32> to vector<16xf32>
    tpu.vector_store %arg10[%swap3A_117], %swap3A_120 {strides = array<i32>} : memref<640xf32, #tpu.memory_space<vmem>>, vector<16xf32>,
    %broadcast_in_dim3A_121 = arith.constant 0.000000e+00 : f32
    %broadcast_in_dim3A_122 = vector.broadcast %broadcast_in_dim3A_121 : f32 to vector<16xf32>
    %swap3A_123 = arith.constant 192 : index
    %swap3A_124 = tpu.vector_load %arg10[%swap3A_123] {strides = array<i32>} : memref<640xf32, #tpu.memory_space<vmem>>, vector<16xf32>,
    %swap3A_125 = vector.shape_cast %swap3A_124 : vector<16xf32> to vector<16xf32>
    %swap3A_126 = vector.shape_cast %broadcast_in_dim3A_122 : vector<16xf32> to vector<16xf32>
    tpu.vector_store %arg10[%swap3A_123], %swap3A_126 {strides = array<i32>} : memref<640xf32, #tpu.memory_space<vmem>>, vector<16xf32>,
    %broadcast_in_dim3A_127 = arith.constant 0.000000e+00 : f32
    %broadcast_in_dim3A_128 = vector.broadcast %broadcast_in_dim3A_127 : f32 to vector<16xf32>
    %swap3A_129 = arith.constant 208 : index
    %swap3A_130 = tpu.vector_load %arg10[%swap3A_129] {strides = array<i32>} : memref<640xf32, #tpu.memory_space<vmem>>, vector<16xf32>,
    %swap3A_131 = vector.shape_cast %swap3A_130 : vector<16xf32> to vector<16xf32>
    %swap3A_132 = vector.shape_cast %broadcast_in_dim3A_128 : vector<16xf32> to vector<16xf32>
    tpu.vector_store %arg10[%swap3A_129], %swap3A_132 {strides = array<i32>} : memref<640xf32, #tpu.memory_space<vmem>>, vector<16xf32>,
    %broadcast_in_dim3A_133 = arith.constant 0.000000e+00 : f32
    %broadcast_in_dim3A_134 = vector.broadcast %broadcast_in_dim3A_133 : f32 to vector<16xf32>
    %swap3A_135 = arith.constant 224 : index
    %swap3A_136 = tpu.vector_load %arg10[%swap3A_135] {strides = array<i32>} : memref<640xf32, #tpu.memory_space<vmem>>, vector<16xf32>,
    %swap3A_137 = vector.shape_cast %swap3A_136 : vector<16xf32> to vector<16xf32>
    %swap3A_138 = vector.shape_cast %broadcast_in_dim3A_134 : vector<16xf32> to vector<16xf32>
    tpu.vector_store %arg10[%swap3A_135], %swap3A_138 {strides = array<i32>} : memref<640xf32, #tpu.memory_space<vmem>>, vector<16xf32>,
    %broadcast_in_dim3A_139 = arith.constant 0.000000e+00 : f32
    %broadcast_in_dim3A_140 = vector.broadcast %broadcast_in_dim3A_139 : f32 to vector<16xf32>
    %swap3A_141 = arith.constant 240 : index
    %swap3A_142 = tpu.vector_load %arg10[%swap3A_141] {strides = array<i32>} : memref<640xf32, #tpu.memory_space<vmem>>, vector<16xf32>,
    %swap3A_143 = vector.shape_cast %swap3A_142 : vector<16xf32> to vector<16xf32>
    %swap3A_144 = vector.shape_cast %broadcast_in_dim3A_140 : vector<16xf32> to vector<16xf32>
    tpu.vector_store %arg10[%swap3A_141], %swap3A_144 {strides = array<i32>} : memref<640xf32, #tpu.memory_space<vmem>>, vector<16xf32>,
    %broadcast_in_dim3A_145 = arith.constant 0.000000e+00 : f32
    %broadcast_in_dim3A_146 = vector.broadcast %broadcast_in_dim3A_145 : f32 to vector<16xf32>
    %swap3A_147 = arith.constant 256 : index
    %swap3A_148 = tpu.vector_load %arg10[%swap3A_147] {strides = array<i32>} : memref<640xf32, #tpu.memory_space<vmem>>, vector<16xf32>,
    %swap3A_149 = vector.shape_cast %swap3A_148 : vector<16xf32> to vector<16xf32>
    %swap3A_150 = vector.shape_cast %broadcast_in_dim3A_146 : vector<16xf32> to vector<16xf32>
    tpu.vector_store %arg10[%swap3A_147], %swap3A_150 {strides = array<i32>} : memref<640xf32, #tpu.memory_space<vmem>>, vector<16xf32>,
    %broadcast_in_dim3A_151 = arith.constant 0.000000e+00 : f32
    %broadcast_in_dim3A_152 = vector.broadcast %broadcast_in_dim3A_151 : f32 to vector<16xf32>
    %swap3A_153 = arith.constant 272 : index
    %swap3A_154 = tpu.vector_load %arg10[%swap3A_153] {strides = array<i32>} : memref<640xf32, #tpu.memory_space<vmem>>, vector<16xf32>,
    %swap3A_155 = vector.shape_cast %swap3A_154 : vector<16xf32> to vector<16xf32>
    %swap3A_156 = vector.shape_cast %broadcast_in_dim3A_152 : vector<16xf32> to vector<16xf32>
    tpu.vector_store %arg10[%swap3A_153], %swap3A_156 {strides = array<i32>} : memref<640xf32, #tpu.memory_space<vmem>>, vector<16xf32>,
    %broadcast_in_dim3A_157 = arith.constant 0.000000e+00 : f32
    %broadcast_in_dim3A_158 = vector.broadcast %broadcast_in_dim3A_157 : f32 to vector<16xf32>
    %swap3A_159 = arith.constant 288 : index
    %swap3A_160 = tpu.vector_load %arg10[%swap3A_159] {strides = array<i32>} : memref<640xf32, #tpu.memory_space<vmem>>, vector<16xf32>,
    %swap3A_161 = vector.shape_cast %swap3A_160 : vector<16xf32> to vector<16xf32>
    %swap3A_162 = vector.shape_cast %broadcast_in_dim3A_158 : vector<16xf32> to vector<16xf32>
    tpu.vector_store %arg10[%swap3A_159], %swap3A_162 {strides = array<i32>} : memref<640xf32, #tpu.memory_space<vmem>>, vector<16xf32>,
    %broadcast_in_dim3A_163 = arith.constant 0.000000e+00 : f32
    %broadcast_in_dim3A_164 = vector.broadcast %broadcast_in_dim3A_163 : f32 to vector<16xf32>
    %swap3A_165 = arith.constant 304 : index
    %swap3A_166 = tpu.vector_load %arg10[%swap3A_165] {strides = array<i32>} : memref<640xf32, #tpu.memory_space<vmem>>, vector<16xf32>,
    %swap3A_167 = vector.shape_cast %swap3A_166 : vector<16xf32> to vector<16xf32>
    %swap3A_168 = vector.shape_cast %broadcast_in_dim3A_164 : vector<16xf32> to vector<16xf32>
    tpu.vector_store %arg10[%swap3A_165], %swap3A_168 {strides = array<i32>} : memref<640xf32, #tpu.memory_space<vmem>>, vector<16xf32>,
    %broadcast_in_dim3A_169 = arith.constant 0.000000e+00 : f32
    %broadcast_in_dim3A_170 = vector.broadcast %broadcast_in_dim3A_169 : f32 to vector<16xf32>
    %swap3A_171 = arith.constant 320 : index
    %swap3A_172 = tpu.vector_load %arg10[%swap3A_171] {strides = array<i32>} : memref<640xf32, #tpu.memory_space<vmem>>, vector<16xf32>,
    %swap3A_173 = vector.shape_cast %swap3A_172 : vector<16xf32> to vector<16xf32>
    %swap3A_174 = vector.shape_cast %broadcast_in_dim3A_170 : vector<16xf32> to vector<16xf32>
    tpu.vector_store %arg10[%swap3A_171], %swap3A_174 {strides = array<i32>} : memref<640xf32, #tpu.memory_space<vmem>>, vector<16xf32>,
    %broadcast_in_dim3A_175 = arith.constant 0.000000e+00 : f32
    %broadcast_in_dim3A_176 = vector.broadcast %broadcast_in_dim3A_175 : f32 to vector<16xf32>
    %swap3A_177 = arith.constant 336 : index
    %swap3A_178 = tpu.vector_load %arg10[%swap3A_177] {strides = array<i32>} : memref<640xf32, #tpu.memory_space<vmem>>, vector<16xf32>,
    %swap3A_179 = vector.shape_cast %swap3A_178 : vector<16xf32> to vector<16xf32>
    %swap3A_180 = vector.shape_cast %broadcast_in_dim3A_176 : vector<16xf32> to vector<16xf32>
    tpu.vector_store %arg10[%swap3A_177], %swap3A_180 {strides = array<i32>} : memref<640xf32, #tpu.memory_space<vmem>>, vector<16xf32>,
    %broadcast_in_dim3A_181 = arith.constant 0.000000e+00 : f32
    %broadcast_in_dim3A_182 = vector.broadcast %broadcast_in_dim3A_181 : f32 to vector<16xf32>
    %swap3A_183 = arith.constant 352 : index
    %swap3A_184 = tpu.vector_load %arg10[%swap3A_183] {strides = array<i32>} : memref<640xf32, #tpu.memory_space<vmem>>, vector<16xf32>,
    %swap3A_185 = vector.shape_cast %swap3A_184 : vector<16xf32> to vector<16xf32>
    %swap3A_186 = vector.shape_cast %broadcast_in_dim3A_182 : vector<16xf32> to vector<16xf32>
    tpu.vector_store %arg10[%swap3A_183], %swap3A_186 {strides = array<i32>} : memref<640xf32, #tpu.memory_space<vmem>>, vector<16xf32>,
    %broadcast_in_dim3A_187 = arith.constant 0.000000e+00 : f32
    %broadcast_in_dim3A_188 = vector.broadcast %broadcast_in_dim3A_187 : f32 to vector<16xf32>
    %swap3A_189 = arith.constant 368 : index
    %swap3A_190 = tpu.vector_load %arg10[%swap3A_189] {strides = array<i32>} : memref<640xf32, #tpu.memory_space<vmem>>, vector<16xf32>,
    %swap3A_191 = vector.shape_cast %swap3A_190 : vector<16xf32> to vector<16xf32>
    %swap3A_192 = vector.shape_cast %broadcast_in_dim3A_188 : vector<16xf32> to vector<16xf32>
    tpu.vector_store %arg10[%swap3A_189], %swap3A_192 {strides = array<i32>} : memref<640xf32, #tpu.memory_space<vmem>>, vector<16xf32>,
    %broadcast_in_dim3A_193 = arith.constant 0.000000e+00 : f32
    %broadcast_in_dim3A_194 = vector.broadcast %broadcast_in_dim3A_193 : f32 to vector<16xf32>
    %swap3A_195 = arith.constant 384 : index
    %swap3A_196 = tpu.vector_load %arg10[%swap3A_195] {strides = array<i32>} : memref<640xf32, #tpu.memory_space<vmem>>, vector<16xf32>,
    %swap3A_197 = vector.shape_cast %swap3A_196 : vector<16xf32> to vector<16xf32>
    %swap3A_198 = vector.shape_cast %broadcast_in_dim3A_194 : vector<16xf32> to vector<16xf32>
    tpu.vector_store %arg10[%swap3A_195], %swap3A_198 {strides = array<i32>} : memref<640xf32, #tpu.memory_space<vmem>>, vector<16xf32>,
    %broadcast_in_dim3A_199 = arith.constant 0.000000e+00 : f32
    %broadcast_in_dim3A_200 = vector.broadcast %broadcast_in_dim3A_199 : f32 to vector<16xf32>
    %swap3A_201 = arith.constant 400 : index
    %swap3A_202 = tpu.vector_load %arg10[%swap3A_201] {strides = array<i32>} : memref<640xf32, #tpu.memory_space<vmem>>, vector<16xf32>,
    %swap3A_203 = vector.shape_cast %swap3A_202 : vector<16xf32> to vector<16xf32>
    %swap3A_204 = vector.shape_cast %broadcast_in_dim3A_200 : vector<16xf32> to vector<16xf32>
    tpu.vector_store %arg10[%swap3A_201], %swap3A_204 {strides = array<i32>} : memref<640xf32, #tpu.memory_space<vmem>>, vector<16xf32>,
    %broadcast_in_dim3A_205 = arith.constant 0.000000e+00 : f32
    %broadcast_in_dim3A_206 = vector.broadcast %broadcast_in_dim3A_205 : f32 to vector<16xf32>
    %swap3A_207 = arith.constant 416 : index
    %swap3A_208 = tpu.vector_load %arg10[%swap3A_207] {strides = array<i32>} : memref<640xf32, #tpu.memory_space<vmem>>, vector<16xf32>,
    %swap3A_209 = vector.shape_cast %swap3A_208 : vector<16xf32> to vector<16xf32>
    %swap3A_210 = vector.shape_cast %broadcast_in_dim3A_206 : vector<16xf32> to vector<16xf32>
    tpu.vector_store %arg10[%swap3A_207], %swap3A_210 {strides = array<i32>} : memref<640xf32, #tpu.memory_space<vmem>>, vector<16xf32>,
    %broadcast_in_dim3A_211 = arith.constant 0.000000e+00 : f32
    %broadcast_in_dim3A_212 = vector.broadcast %broadcast_in_dim3A_211 : f32 to vector<16xf32>
    %swap3A_213 = arith.constant 432 : index
    %swap3A_214 = tpu.vector_load %arg10[%swap3A_213] {strides = array<i32>} : memref<640xf32, #tpu.memory_space<vmem>>, vector<16xf32>,
    %swap3A_215 = vector.shape_cast %swap3A_214 : vector<16xf32> to vector<16xf32>
    %swap3A_216 = vector.shape_cast %broadcast_in_dim3A_212 : vector<16xf32> to vector<16xf32>
    tpu.vector_store %arg10[%swap3A_213], %swap3A_216 {strides = array<i32>} : memref<640xf32, #tpu.memory_space<vmem>>, vector<16xf32>,
    %broadcast_in_dim3A_217 = arith.constant 0.000000e+00 : f32
    %broadcast_in_dim3A_218 = vector.broadcast %broadcast_in_dim3A_217 : f32 to vector<16xf32>
    %swap3A_219 = arith.constant 448 : index
    %swap3A_220 = tpu.vector_load %arg10[%swap3A_219] {strides = array<i32>} : memref<640xf32, #tpu.memory_space<vmem>>, vector<16xf32>,
    %swap3A_221 = vector.shape_cast %swap3A_220 : vector<16xf32> to vector<16xf32>
    %swap3A_222 = vector.shape_cast %broadcast_in_dim3A_218 : vector<16xf32> to vector<16xf32>
    tpu.vector_store %arg10[%swap3A_219], %swap3A_222 {strides = array<i32>} : memref<640xf32, #tpu.memory_space<vmem>>, vector<16xf32>,
    %broadcast_in_dim3A_223 = arith.constant 0.000000e+00 : f32
    %broadcast_in_dim3A_224 = vector.broadcast %broadcast_in_dim3A_223 : f32 to vector<16xf32>
    %swap3A_225 = arith.constant 464 : index
    %swap3A_226 = tpu.vector_load %arg10[%swap3A_225] {strides = array<i32>} : memref<640xf32, #tpu.memory_space<vmem>>, vector<16xf32>,
    %swap3A_227 = vector.shape_cast %swap3A_226 : vector<16xf32> to vector<16xf32>
    %swap3A_228 = vector.shape_cast %broadcast_in_dim3A_224 : vector<16xf32> to vector<16xf32>
    tpu.vector_store %arg10[%swap3A_225], %swap3A_228 {strides = array<i32>} : memref<640xf32, #tpu.memory_space<vmem>>, vector<16xf32>,
    %broadcast_in_dim3A_229 = arith.constant 0.000000e+00 : f32
    %broadcast_in_dim3A_230 = vector.broadcast %broadcast_in_dim3A_229 : f32 to vector<16xf32>
    %swap3A_231 = arith.constant 480 : index
    %swap3A_232 = tpu.vector_load %arg10[%swap3A_231] {strides = array<i32>} : memref<640xf32, #tpu.memory_space<vmem>>, vector<16xf32>,
    %swap3A_233 = vector.shape_cast %swap3A_232 : vector<16xf32> to vector<16xf32>
    %swap3A_234 = vector.shape_cast %broadcast_in_dim3A_230 : vector<16xf32> to vector<16xf32>
    tpu.vector_store %arg10[%swap3A_231], %swap3A_234 {strides = array<i32>} : memref<640xf32, #tpu.memory_space<vmem>>, vector<16xf32>,
    %broadcast_in_dim3A_235 = arith.constant 0.000000e+00 : f32
    %broadcast_in_dim3A_236 = vector.broadcast %broadcast_in_dim3A_235 : f32 to vector<16xf32>
    %swap3A_237 = arith.constant 496 : index
    %swap3A_238 = tpu.vector_load %arg10[%swap3A_237] {strides = array<i32>} : memref<640xf32, #tpu.memory_space<vmem>>, vector<16xf32>,
    %swap3A_239 = vector.shape_cast %swap3A_238 : vector<16xf32> to vector<16xf32>
    %swap3A_240 = vector.shape_cast %broadcast_in_dim3A_236 : vector<16xf32> to vector<16xf32>
    tpu.vector_store %arg10[%swap3A_237], %swap3A_240 {strides = array<i32>} : memref<640xf32, #tpu.memory_space<vmem>>, vector<16xf32>,
    %broadcast_in_dim3A_241 = arith.constant 0.000000e+00 : f32
    %broadcast_in_dim3A_242 = vector.broadcast %broadcast_in_dim3A_241 : f32 to vector<16xf32>
    %swap3A_243 = arith.constant 512 : index
    %swap3A_244 = tpu.vector_load %arg10[%swap3A_243] {strides = array<i32>} : memref<640xf32, #tpu.memory_space<vmem>>, vector<16xf32>,
    %swap3A_245 = vector.shape_cast %swap3A_244 : vector<16xf32> to vector<16xf32>
    %swap3A_246 = vector.shape_cast %broadcast_in_dim3A_242 : vector<16xf32> to vector<16xf32>
    tpu.vector_store %arg10[%swap3A_243], %swap3A_246 {strides = array<i32>} : memref<640xf32, #tpu.memory_space<vmem>>, vector<16xf32>,
    %broadcast_in_dim3A_247 = arith.constant 0.000000e+00 : f32
    %broadcast_in_dim3A_248 = vector.broadcast %broadcast_in_dim3A_247 : f32 to vector<16xf32>
    %swap3A_249 = arith.constant 528 : index
    %swap3A_250 = tpu.vector_load %arg10[%swap3A_249] {strides = array<i32>} : memref<640xf32, #tpu.memory_space<vmem>>, vector<16xf32>,
    %swap3A_251 = vector.shape_cast %swap3A_250 : vector<16xf32> to vector<16xf32>
    %swap3A_252 = vector.shape_cast %broadcast_in_dim3A_248 : vector<16xf32> to vector<16xf32>
    tpu.vector_store %arg10[%swap3A_249], %swap3A_252 {strides = array<i32>} : memref<640xf32, #tpu.memory_space<vmem>>, vector<16xf32>,
    %broadcast_in_dim3A_253 = arith.constant 0.000000e+00 : f32
    %broadcast_in_dim3A_254 = vector.broadcast %broadcast_in_dim3A_253 : f32 to vector<16xf32>
    %swap3A_255 = arith.constant 544 : index
    %swap3A_256 = tpu.vector_load %arg10[%swap3A_255] {strides = array<i32>} : memref<640xf32, #tpu.memory_space<vmem>>, vector<16xf32>,
    %swap3A_257 = vector.shape_cast %swap3A_256 : vector<16xf32> to vector<16xf32>
    %swap3A_258 = vector.shape_cast %broadcast_in_dim3A_254 : vector<16xf32> to vector<16xf32>
    tpu.vector_store %arg10[%swap3A_255], %swap3A_258 {strides = array<i32>} : memref<640xf32, #tpu.memory_space<vmem>>, vector<16xf32>,
    %broadcast_in_dim3A_259 = arith.constant 0.000000e+00 : f32
    %broadcast_in_dim3A_260 = vector.broadcast %broadcast_in_dim3A_259 : f32 to vector<16xf32>
    %swap3A_261 = arith.constant 560 : index
    %swap3A_262 = tpu.vector_load %arg10[%swap3A_261] {strides = array<i32>} : memref<640xf32, #tpu.memory_space<vmem>>, vector<16xf32>,
    %swap3A_263 = vector.shape_cast %swap3A_262 : vector<16xf32> to vector<16xf32>
    %swap3A_264 = vector.shape_cast %broadcast_in_dim3A_260 : vector<16xf32> to vector<16xf32>
    tpu.vector_store %arg10[%swap3A_261], %swap3A_264 {strides = array<i32>} : memref<640xf32, #tpu.memory_space<vmem>>, vector<16xf32>,
    %broadcast_in_dim3A_265 = arith.constant 0.000000e+00 : f32
    %broadcast_in_dim3A_266 = vector.broadcast %broadcast_in_dim3A_265 : f32 to vector<16xf32>
    %swap3A_267 = arith.constant 576 : index
    %swap3A_268 = tpu.vector_load %arg10[%swap3A_267] {strides = array<i32>} : memref<640xf32, #tpu.memory_space<vmem>>, vector<16xf32>,
    %swap3A_269 = vector.shape_cast %swap3A_268 : vector<16xf32> to vector<16xf32>
    %swap3A_270 = vector.shape_cast %broadcast_in_dim3A_266 : vector<16xf32> to vector<16xf32>
    tpu.vector_store %arg10[%swap3A_267], %swap3A_270 {strides = array<i32>} : memref<640xf32, #tpu.memory_space<vmem>>, vector<16xf32>,
    %broadcast_in_dim3A_271 = arith.constant 0.000000e+00 : f32
    %broadcast_in_dim3A_272 = vector.broadcast %broadcast_in_dim3A_271 : f32 to vector<16xf32>
    %swap3A_273 = arith.constant 592 : index
    %swap3A_274 = tpu.vector_load %arg10[%swap3A_273] {strides = array<i32>} : memref<640xf32, #tpu.memory_space<vmem>>, vector<16xf32>,
    %swap3A_275 = vector.shape_cast %swap3A_274 : vector<16xf32> to vector<16xf32>
    %swap3A_276 = vector.shape_cast %broadcast_in_dim3A_272 : vector<16xf32> to vector<16xf32>
    tpu.vector_store %arg10[%swap3A_273], %swap3A_276 {strides = array<i32>} : memref<640xf32, #tpu.memory_space<vmem>>, vector<16xf32>,
    %broadcast_in_dim3A_277 = arith.constant 0.000000e+00 : f32
    %broadcast_in_dim3A_278 = vector.broadcast %broadcast_in_dim3A_277 : f32 to vector<16xf32>
    %swap3A_279 = arith.constant 608 : index
    %swap3A_280 = tpu.vector_load %arg10[%swap3A_279] {strides = array<i32>} : memref<640xf32, #tpu.memory_space<vmem>>, vector<16xf32>,
    %swap3A_281 = vector.shape_cast %swap3A_280 : vector<16xf32> to vector<16xf32>
    %swap3A_282 = vector.shape_cast %broadcast_in_dim3A_278 : vector<16xf32> to vector<16xf32>
    tpu.vector_store %arg10[%swap3A_279], %swap3A_282 {strides = array<i32>} : memref<640xf32, #tpu.memory_space<vmem>>, vector<16xf32>,
    %broadcast_in_dim3A_283 = arith.constant 0.000000e+00 : f32
    %broadcast_in_dim3A_284 = vector.broadcast %broadcast_in_dim3A_283 : f32 to vector<16xf32>
    %swap3A_285 = arith.constant 624 : index
    %swap3A_286 = tpu.vector_load %arg10[%swap3A_285] {strides = array<i32>} : memref<640xf32, #tpu.memory_space<vmem>>, vector<16xf32>,
    %swap3A_287 = vector.shape_cast %swap3A_286 : vector<16xf32> to vector<16xf32>
    %swap3A_288 = vector.shape_cast %broadcast_in_dim3A_284 : vector<16xf32> to vector<16xf32>
    tpu.vector_store %arg10[%swap3A_285], %swap3A_288 {strides = array<i32>} : memref<640xf32, #tpu.memory_space<vmem>>, vector<16xf32>,
    "tpu.region"() ({
      %run_scoped3A = tpu.sem_alloc : memref<!tpu.dma_semaphore, #tpu.memory_space<semaphore_mem>>
      %dma_start3A = tpu.memref_slice %arg14[%mul3A_2] : memref<10240xf32, #tpu.memory_space<vmem_shared>> -> memref<640xf32, #tpu.memory_space<vmem_shared>>
      %dma_start3A_910 = tpu.memref_slice %arg14[%mul3A_2] : memref<10240xf32, #tpu.memory_space<vmem_shared>> -> memref<640xf32, #tpu.memory_space<vmem_shared>>
      tpu.enqueue_dma source(%arg10 : memref<640xf32, #tpu.memory_space<vmem>>) target(%dma_start3A_910 : memref<640xf32, #tpu.memory_space<vmem_shared>>) target_semaphore(%run_scoped3A : memref<!tpu.dma_semaphore, #tpu.memory_space<semaphore_mem>>)
      %dma_wait3A_911 = tpu.memref_slice %arg14[%mul3A_2] : memref<10240xf32, #tpu.memory_space<vmem_shared>> -> memref<640xf32, #tpu.memory_space<vmem_shared>>
      %dma_wait3A_912 = tpu.memref_slice %arg14[%mul3A_2] : memref<10240xf32, #tpu.memory_space<vmem_shared>> -> memref<640xf32, #tpu.memory_space<vmem_shared>>
      tpu.wait_dma2 semaphore(%run_scoped3A : memref<!tpu.dma_semaphore, #tpu.memory_space<semaphore_mem>>) src(%arg10 : memref<640xf32, #tpu.memory_space<vmem>>) dst(%dma_wait3A_912 : memref<640xf32, #tpu.memory_space<vmem_shared>>)
      tpu.yield
    }) : () -> ()
    "tpu.region"() ({
      %run_scoped3A = tpu.sem_alloc : memref<!tpu.dma_semaphore, #tpu.memory_space<semaphore_mem>>
      %dma_start3A = tpu.memref_slice %arg15[%mul3A_2] : memref<10240xf32, #tpu.memory_space<vmem_shared>> -> memref<640xf32, #tpu.memory_space<vmem_shared>>
      %dma_start3A_910 = tpu.memref_slice %arg15[%mul3A_2] : memref<10240xf32, #tpu.memory_space<vmem_shared>> -> memref<640xf32, #tpu.memory_space<vmem_shared>>
      tpu.enqueue_dma source(%arg10 : memref<640xf32, #tpu.memory_space<vmem>>) target(%dma_start3A_910 : memref<640xf32, #tpu.memory_space<vmem_shared>>) target_semaphore(%run_scoped3A : memref<!tpu.dma_semaphore, #tpu.memory_space<semaphore_mem>>)
      %dma_wait3A_911 = tpu.memref_slice %arg15[%mul3A_2] : memref<10240xf32, #tpu.memory_space<vmem_shared>> -> memref<640xf32, #tpu.memory_space<vmem_shared>>
      %dma_wait3A_912 = tpu.memref_slice %arg15[%mul3A_2] : memref<10240xf32, #tpu.memory_space<vmem_shared>> -> memref<640xf32, #tpu.memory_space<vmem_shared>>
      tpu.wait_dma2 semaphore(%run_scoped3A : memref<!tpu.dma_semaphore, #tpu.memory_space<semaphore_mem>>) src(%arg10 : memref<640xf32, #tpu.memory_space<vmem>>) dst(%dma_wait3A_912 : memref<640xf32, #tpu.memory_space<vmem_shared>>)
      tpu.yield
    }) : () -> ()
    %barrier3A = arith.constant 0 : index
    tpu.barrier barrier_id(%barrier3A)
    %scan3A = arith.constant 0 : i32
    %scan3A_289 = arith.constant 0 : i32
    %scan3A_290 = arith.constant 160 : i32
    %scan3A_291 = arith.addi %scan3A_289, %scan3A_290 : i32
    %scan3A_292 = arith.constant 1 : i32
    scf.for %scan3A_910 = %scan3A_289 to %scan3A_291 step %scan3A_292  : i32 {
      %dma_start3A = arith.constant 0 : i32
      %dma_start3A_911 = tpu.memref_slice %arg7[%scan3A_910, %dma_start3A] : memref<160x128xf32, #tpu.memory_space<vmem>> -> memref<1x128xf32, #tpu.memory_space<vmem>>
      %dma_start3A_912 = tpu.memref_squeeze %dma_start3A_911 : memref<1x128xf32, #tpu.memory_space<vmem>> -> memref<128xf32, #tpu.memory_space<vmem>>
      %dma_start3A_913 = arith.constant 0 : i32
      %dma_start3A_914 = tpu.memref_slice %arg6[%scan3A_910, %dma_start3A_913] : memref<160x128xi32, #tpu.memory_space<vmem>> -> memref<1x128xi32, #tpu.memory_space<vmem>>
      %dma_start3A_915 = tpu.memref_squeeze %dma_start3A_914 : memref<1x128xi32, #tpu.memory_space<vmem>> -> memref<128xi32, #tpu.memory_space<vmem>>
      %dma_start3A_916 = arith.constant 0 : i32
      %dma_start3A_917 = tpu.memref_slice %arg14[%dma_start3A_916] : memref<10240xf32, #tpu.memory_space<vmem_shared>> -> memref<10240xf32, #tpu.memory_space<vmem_shared>>
      tpu.enqueue_indirect_dma source(%dma_start3A_912 : memref<128xf32, #tpu.memory_space<vmem>>) target(%dma_start3A_917 : memref<10240xf32, #tpu.memory_space<vmem_shared>>) offsets(%dma_start3A_915 : memref<128xi32, #tpu.memory_space<vmem>>) semaphore(%arg17 : memref<!tpu.dma_semaphore, #tpu.memory_space<semaphore_mem>>) {add = true}
      %dma_start3A_918 = arith.constant 0 : i32
      %dma_start3A_919 = tpu.memref_slice %arg6[%scan3A_910, %dma_start3A_918] : memref<160x128xi32, #tpu.memory_space<vmem>> -> memref<1x128xi32, #tpu.memory_space<vmem>>
      %dma_start3A_920 = tpu.memref_squeeze %dma_start3A_919 : memref<1x128xi32, #tpu.memory_space<vmem>> -> memref<128xi32, #tpu.memory_space<vmem>>
      %dma_start3A_921 = arith.constant 0 : i32
      %dma_start3A_922 = tpu.memref_slice %arg15[%dma_start3A_921] : memref<10240xf32, #tpu.memory_space<vmem_shared>> -> memref<10240xf32, #tpu.memory_space<vmem_shared>>
      tpu.enqueue_indirect_dma source(%arg9 : memref<128xf32, #tpu.memory_space<vmem>>) target(%dma_start3A_922 : memref<10240xf32, #tpu.memory_space<vmem_shared>>) offsets(%dma_start3A_920 : memref<128xi32, #tpu.memory_space<vmem>>) semaphore(%arg17 : memref<!tpu.dma_semaphore, #tpu.memory_space<semaphore_mem>>) {add = true}
    }
    %scan3A_293 = arith.constant 160 : i32
    %dma_wait3A = arith.constant 0 : i32
    %dma_wait3A_294 = tpu.memref_slice %arg4[%mul3A_0, %dma_wait3A] : memref<2560x128xf32, #tpu.memory_space<hbm>> -> memref<160x128xf32, #tpu.memory_space<hbm>>
    %dma_wait3A_295 = arith.constant 0 : i32
    %dma_wait3A_296 = tpu.memref_slice %arg4[%mul3A_0, %dma_wait3A_295] : memref<2560x128xf32, #tpu.memory_space<hbm>> -> memref<160x128xf32, #tpu.memory_space<hbm>>
    tpu.wait_dma2 semaphore(%arg17 : memref<!tpu.dma_semaphore, #tpu.memory_space<semaphore_mem>>) src(%dma_wait3A_296 : memref<160x128xf32, #tpu.memory_space<hbm>>) dst(%arg7 : memref<160x128xf32, #tpu.memory_space<vmem>>)
    %dma_wait3A_297 = arith.constant 0 : i32
    %dma_wait3A_298 = tpu.memref_slice %arg4[%mul3A_0, %dma_wait3A_297] : memref<2560x128xf32, #tpu.memory_space<hbm>> -> memref<160x128xf32, #tpu.memory_space<hbm>>
    %dma_wait3A_299 = arith.constant 0 : i32
    %dma_wait3A_300 = tpu.memref_slice %arg4[%mul3A_0, %dma_wait3A_299] : memref<2560x128xf32, #tpu.memory_space<hbm>> -> memref<160x128xf32, #tpu.memory_space<hbm>>
    tpu.wait_dma2 semaphore(%arg17 : memref<!tpu.dma_semaphore, #tpu.memory_space<semaphore_mem>>) src(%dma_wait3A_300 : memref<160x128xf32, #tpu.memory_space<hbm>>) dst(%arg7 : memref<160x128xf32, #tpu.memory_space<vmem>>)
    %barrier3A_301 = arith.constant 0 : index
    tpu.barrier barrier_id(%barrier3A_301)
    "tpu.region"() ({
      %run_scoped3A = tpu.sem_alloc : memref<!tpu.dma_semaphore, #tpu.memory_space<semaphore_mem>>
      %dma_start3A = tpu.memref_slice %arg14[%mul3A_2] : memref<10240xf32, #tpu.memory_space<vmem_shared>> -> memref<640xf32, #tpu.memory_space<vmem_shared>>
      %dma_start3A_910 = tpu.memref_slice %arg14[%mul3A_2] : memref<10240xf32, #tpu.memory_space<vmem_shared>> -> memref<640xf32, #tpu.memory_space<vmem_shared>>
      tpu.enqueue_dma source(%dma_start3A_910 : memref<640xf32, #tpu.memory_space<vmem_shared>>) target(%arg11 : memref<640xf32, #tpu.memory_space<vmem>>) target_semaphore(%run_scoped3A : memref<!tpu.dma_semaphore, #tpu.memory_space<semaphore_mem>>)
      %dma_wait3A_911 = tpu.memref_slice %arg14[%mul3A_2] : memref<10240xf32, #tpu.memory_space<vmem_shared>> -> memref<640xf32, #tpu.memory_space<vmem_shared>>
      %dma_wait3A_912 = tpu.memref_slice %arg14[%mul3A_2] : memref<10240xf32, #tpu.memory_space<vmem_shared>> -> memref<640xf32, #tpu.memory_space<vmem_shared>>
      tpu.wait_dma2 semaphore(%run_scoped3A : memref<!tpu.dma_semaphore, #tpu.memory_space<semaphore_mem>>) src(%dma_wait3A_912 : memref<640xf32, #tpu.memory_space<vmem_shared>>) dst(%arg11 : memref<640xf32, #tpu.memory_space<vmem>>)
      tpu.yield
    }) : () -> ()
    "tpu.region"() ({
      %run_scoped3A = tpu.sem_alloc : memref<!tpu.dma_semaphore, #tpu.memory_space<semaphore_mem>>
      %dma_start3A = tpu.memref_slice %arg15[%mul3A_2] : memref<10240xf32, #tpu.memory_space<vmem_shared>> -> memref<640xf32, #tpu.memory_space<vmem_shared>>
      %dma_start3A_910 = tpu.memref_slice %arg15[%mul3A_2] : memref<10240xf32, #tpu.memory_space<vmem_shared>> -> memref<640xf32, #tpu.memory_space<vmem_shared>>
      tpu.enqueue_dma source(%dma_start3A_910 : memref<640xf32, #tpu.memory_space<vmem_shared>>) target(%arg12 : memref<640xf32, #tpu.memory_space<vmem>>) target_semaphore(%run_scoped3A : memref<!tpu.dma_semaphore, #tpu.memory_space<semaphore_mem>>)
      %dma_wait3A_911 = tpu.memref_slice %arg15[%mul3A_2] : memref<10240xf32, #tpu.memory_space<vmem_shared>> -> memref<640xf32, #tpu.memory_space<vmem_shared>>
      %dma_wait3A_912 = tpu.memref_slice %arg15[%mul3A_2] : memref<10240xf32, #tpu.memory_space<vmem_shared>> -> memref<640xf32, #tpu.memory_space<vmem_shared>>
      tpu.wait_dma2 semaphore(%run_scoped3A : memref<!tpu.dma_semaphore, #tpu.memory_space<semaphore_mem>>) src(%dma_wait3A_912 : memref<640xf32, #tpu.memory_space<vmem_shared>>) dst(%arg12 : memref<640xf32, #tpu.memory_space<vmem>>)
      tpu.yield
    }) : () -> ()
    "tpu.region"() ({
      %run_scoped3A = tpu.sem_alloc : memref<!tpu.dma_semaphore, #tpu.memory_space<semaphore_mem>>
      %dma_start3A = tpu.memref_slice %arg2[%mul3A_2] : memref<10240xf32, #tpu.memory_space<hbm>> -> memref<640xf32, #tpu.memory_space<hbm>>
      %dma_start3A_910 = tpu.memref_slice %arg2[%mul3A_2] : memref<10240xf32, #tpu.memory_space<hbm>> -> memref<640xf32, #tpu.memory_space<hbm>>
      tpu.enqueue_dma source(%dma_start3A_910 : memref<640xf32, #tpu.memory_space<hbm>>) target(%arg13 : memref<640xf32, #tpu.memory_space<vmem>>) target_semaphore(%run_scoped3A : memref<!tpu.dma_semaphore, #tpu.memory_space<semaphore_mem>>)
      %dma_wait3A_911 = tpu.memref_slice %arg2[%mul3A_2] : memref<10240xf32, #tpu.memory_space<hbm>> -> memref<640xf32, #tpu.memory_space<hbm>>
      %dma_wait3A_912 = tpu.memref_slice %arg2[%mul3A_2] : memref<10240xf32, #tpu.memory_space<hbm>> -> memref<640xf32, #tpu.memory_space<hbm>>
      tpu.wait_dma2 semaphore(%run_scoped3A : memref<!tpu.dma_semaphore, #tpu.memory_space<semaphore_mem>>) src(%dma_wait3A_912 : memref<640xf32, #tpu.memory_space<hbm>>) dst(%arg13 : memref<640xf32, #tpu.memory_space<vmem>>)
      tpu.yield
    }) : () -> ()
    %get3A = arith.constant 0 : index
    %get3A_302 = tpu.vector_load %arg13[%get3A] {strides = array<i32>} : memref<640xf32, #tpu.memory_space<vmem>>, vector<16xf32>,
    %get3A_303 = vector.shape_cast %get3A_302 : vector<16xf32> to vector<16xf32>
    %get3A_304 = arith.constant 0 : index
    %get3A_305 = tpu.vector_load %arg11[%get3A_304] {strides = array<i32>} : memref<640xf32, #tpu.memory_space<vmem>>, vector<16xf32>,
    %get3A_306 = vector.shape_cast %get3A_305 : vector<16xf32> to vector<16xf32>
    %sub3A = arith.subf %get3A_303, %get3A_306 : vector<16xf32>
    %get3A_307 = arith.constant 0 : index
    %get3A_308 = tpu.vector_load %arg12[%get3A_307] {strides = array<i32>} : memref<640xf32, #tpu.memory_space<vmem>>, vector<16xf32>,
    %get3A_309 = vector.shape_cast %get3A_308 : vector<16xf32> to vector<16xf32>
    %div3A = arith.divf %sub3A, %get3A_309 : vector<16xf32>
    %swap3A_310 = arith.constant 0 : index
    %swap3A_311 = tpu.vector_load %arg11[%swap3A_310] {strides = array<i32>} : memref<640xf32, #tpu.memory_space<vmem>>, vector<16xf32>,
    %swap3A_312 = vector.shape_cast %swap3A_311 : vector<16xf32> to vector<16xf32>
    %swap3A_313 = vector.shape_cast %div3A : vector<16xf32> to vector<16xf32>
    tpu.vector_store %arg11[%swap3A_310], %swap3A_313 {strides = array<i32>} : memref<640xf32, #tpu.memory_space<vmem>>, vector<16xf32>,
    %get3A_314 = arith.constant 16 : index
    %get3A_315 = tpu.vector_load %arg13[%get3A_314] {strides = array<i32>} : memref<640xf32, #tpu.memory_space<vmem>>, vector<16xf32>,
    %get3A_316 = vector.shape_cast %get3A_315 : vector<16xf32> to vector<16xf32>
    %get3A_317 = arith.constant 16 : index
    %get3A_318 = tpu.vector_load %arg11[%get3A_317] {strides = array<i32>} : memref<640xf32, #tpu.memory_space<vmem>>, vector<16xf32>,
    %get3A_319 = vector.shape_cast %get3A_318 : vector<16xf32> to vector<16xf32>
    %sub3A_320 = arith.subf %get3A_316, %get3A_319 : vector<16xf32>
    %get3A_321 = arith.constant 16 : index
    %get3A_322 = tpu.vector_load %arg12[%get3A_321] {strides = array<i32>} : memref<640xf32, #tpu.memory_space<vmem>>, vector<16xf32>,
    %get3A_323 = vector.shape_cast %get3A_322 : vector<16xf32> to vector<16xf32>
    %div3A_324 = arith.divf %sub3A_320, %get3A_323 : vector<16xf32>
    %swap3A_325 = arith.constant 16 : index
    %swap3A_326 = tpu.vector_load %arg11[%swap3A_325] {strides = array<i32>} : memref<640xf32, #tpu.memory_space<vmem>>, vector<16xf32>,
    %swap3A_327 = vector.shape_cast %swap3A_326 : vector<16xf32> to vector<16xf32>
    %swap3A_328 = vector.shape_cast %div3A_324 : vector<16xf32> to vector<16xf32>
    tpu.vector_store %arg11[%swap3A_325], %swap3A_328 {strides = array<i32>} : memref<640xf32, #tpu.memory_space<vmem>>, vector<16xf32>,
    %get3A_329 = arith.constant 32 : index
    %get3A_330 = tpu.vector_load %arg13[%get3A_329] {strides = array<i32>} : memref<640xf32, #tpu.memory_space<vmem>>, vector<16xf32>,
    %get3A_331 = vector.shape_cast %get3A_330 : vector<16xf32> to vector<16xf32>
    %get3A_332 = arith.constant 32 : index
    %get3A_333 = tpu.vector_load %arg11[%get3A_332] {strides = array<i32>} : memref<640xf32, #tpu.memory_space<vmem>>, vector<16xf32>,
    %get3A_334 = vector.shape_cast %get3A_333 : vector<16xf32> to vector<16xf32>
    %sub3A_335 = arith.subf %get3A_331, %get3A_334 : vector<16xf32>
    %get3A_336 = arith.constant 32 : index
    %get3A_337 = tpu.vector_load %arg12[%get3A_336] {strides = array<i32>} : memref<640xf32, #tpu.memory_space<vmem>>, vector<16xf32>,
    %get3A_338 = vector.shape_cast %get3A_337 : vector<16xf32> to vector<16xf32>
    %div3A_339 = arith.divf %sub3A_335, %get3A_338 : vector<16xf32>
    %swap3A_340 = arith.constant 32 : index
    %swap3A_341 = tpu.vector_load %arg11[%swap3A_340] {strides = array<i32>} : memref<640xf32, #tpu.memory_space<vmem>>, vector<16xf32>,
    %swap3A_342 = vector.shape_cast %swap3A_341 : vector<16xf32> to vector<16xf32>
    %swap3A_343 = vector.shape_cast %div3A_339 : vector<16xf32> to vector<16xf32>
    tpu.vector_store %arg11[%swap3A_340], %swap3A_343 {strides = array<i32>} : memref<640xf32, #tpu.memory_space<vmem>>, vector<16xf32>,
    %get3A_344 = arith.constant 48 : index
    %get3A_345 = tpu.vector_load %arg13[%get3A_344] {strides = array<i32>} : memref<640xf32, #tpu.memory_space<vmem>>, vector<16xf32>,
    %get3A_346 = vector.shape_cast %get3A_345 : vector<16xf32> to vector<16xf32>
    %get3A_347 = arith.constant 48 : index
    %get3A_348 = tpu.vector_load %arg11[%get3A_347] {strides = array<i32>} : memref<640xf32, #tpu.memory_space<vmem>>, vector<16xf32>,
    %get3A_349 = vector.shape_cast %get3A_348 : vector<16xf32> to vector<16xf32>
    %sub3A_350 = arith.subf %get3A_346, %get3A_349 : vector<16xf32>
    %get3A_351 = arith.constant 48 : index
    %get3A_352 = tpu.vector_load %arg12[%get3A_351] {strides = array<i32>} : memref<640xf32, #tpu.memory_space<vmem>>, vector<16xf32>,
    %get3A_353 = vector.shape_cast %get3A_352 : vector<16xf32> to vector<16xf32>
    %div3A_354 = arith.divf %sub3A_350, %get3A_353 : vector<16xf32>
    %swap3A_355 = arith.constant 48 : index
    %swap3A_356 = tpu.vector_load %arg11[%swap3A_355] {strides = array<i32>} : memref<640xf32, #tpu.memory_space<vmem>>, vector<16xf32>,
    %swap3A_357 = vector.shape_cast %swap3A_356 : vector<16xf32> to vector<16xf32>
    %swap3A_358 = vector.shape_cast %div3A_354 : vector<16xf32> to vector<16xf32>
    tpu.vector_store %arg11[%swap3A_355], %swap3A_358 {strides = array<i32>} : memref<640xf32, #tpu.memory_space<vmem>>, vector<16xf32>,
    %get3A_359 = arith.constant 64 : index
    %get3A_360 = tpu.vector_load %arg13[%get3A_359] {strides = array<i32>} : memref<640xf32, #tpu.memory_space<vmem>>, vector<16xf32>,
    %get3A_361 = vector.shape_cast %get3A_360 : vector<16xf32> to vector<16xf32>
    %get3A_362 = arith.constant 64 : index
    %get3A_363 = tpu.vector_load %arg11[%get3A_362] {strides = array<i32>} : memref<640xf32, #tpu.memory_space<vmem>>, vector<16xf32>,
    %get3A_364 = vector.shape_cast %get3A_363 : vector<16xf32> to vector<16xf32>
    %sub3A_365 = arith.subf %get3A_361, %get3A_364 : vector<16xf32>
    %get3A_366 = arith.constant 64 : index
    %get3A_367 = tpu.vector_load %arg12[%get3A_366] {strides = array<i32>} : memref<640xf32, #tpu.memory_space<vmem>>, vector<16xf32>,
    %get3A_368 = vector.shape_cast %get3A_367 : vector<16xf32> to vector<16xf32>
    %div3A_369 = arith.divf %sub3A_365, %get3A_368 : vector<16xf32>
    %swap3A_370 = arith.constant 64 : index
    %swap3A_371 = tpu.vector_load %arg11[%swap3A_370] {strides = array<i32>} : memref<640xf32, #tpu.memory_space<vmem>>, vector<16xf32>,
    %swap3A_372 = vector.shape_cast %swap3A_371 : vector<16xf32> to vector<16xf32>
    %swap3A_373 = vector.shape_cast %div3A_369 : vector<16xf32> to vector<16xf32>
    tpu.vector_store %arg11[%swap3A_370], %swap3A_373 {strides = array<i32>} : memref<640xf32, #tpu.memory_space<vmem>>, vector<16xf32>,
    %get3A_374 = arith.constant 80 : index
    %get3A_375 = tpu.vector_load %arg13[%get3A_374] {strides = array<i32>} : memref<640xf32, #tpu.memory_space<vmem>>, vector<16xf32>,
    %get3A_376 = vector.shape_cast %get3A_375 : vector<16xf32> to vector<16xf32>
    %get3A_377 = arith.constant 80 : index
    %get3A_378 = tpu.vector_load %arg11[%get3A_377] {strides = array<i32>} : memref<640xf32, #tpu.memory_space<vmem>>, vector<16xf32>,
    %get3A_379 = vector.shape_cast %get3A_378 : vector<16xf32> to vector<16xf32>
    %sub3A_380 = arith.subf %get3A_376, %get3A_379 : vector<16xf32>
    %get3A_381 = arith.constant 80 : index
    %get3A_382 = tpu.vector_load %arg12[%get3A_381] {strides = array<i32>} : memref<640xf32, #tpu.memory_space<vmem>>, vector<16xf32>,
    %get3A_383 = vector.shape_cast %get3A_382 : vector<16xf32> to vector<16xf32>
    %div3A_384 = arith.divf %sub3A_380, %get3A_383 : vector<16xf32>
    %swap3A_385 = arith.constant 80 : index
    %swap3A_386 = tpu.vector_load %arg11[%swap3A_385] {strides = array<i32>} : memref<640xf32, #tpu.memory_space<vmem>>, vector<16xf32>,
    %swap3A_387 = vector.shape_cast %swap3A_386 : vector<16xf32> to vector<16xf32>
    %swap3A_388 = vector.shape_cast %div3A_384 : vector<16xf32> to vector<16xf32>
    tpu.vector_store %arg11[%swap3A_385], %swap3A_388 {strides = array<i32>} : memref<640xf32, #tpu.memory_space<vmem>>, vector<16xf32>,
    %get3A_389 = arith.constant 96 : index
    %get3A_390 = tpu.vector_load %arg13[%get3A_389] {strides = array<i32>} : memref<640xf32, #tpu.memory_space<vmem>>, vector<16xf32>,
    %get3A_391 = vector.shape_cast %get3A_390 : vector<16xf32> to vector<16xf32>
    %get3A_392 = arith.constant 96 : index
    %get3A_393 = tpu.vector_load %arg11[%get3A_392] {strides = array<i32>} : memref<640xf32, #tpu.memory_space<vmem>>, vector<16xf32>,
    %get3A_394 = vector.shape_cast %get3A_393 : vector<16xf32> to vector<16xf32>
    %sub3A_395 = arith.subf %get3A_391, %get3A_394 : vector<16xf32>
    %get3A_396 = arith.constant 96 : index
    %get3A_397 = tpu.vector_load %arg12[%get3A_396] {strides = array<i32>} : memref<640xf32, #tpu.memory_space<vmem>>, vector<16xf32>,
    %get3A_398 = vector.shape_cast %get3A_397 : vector<16xf32> to vector<16xf32>
    %div3A_399 = arith.divf %sub3A_395, %get3A_398 : vector<16xf32>
    %swap3A_400 = arith.constant 96 : index
    %swap3A_401 = tpu.vector_load %arg11[%swap3A_400] {strides = array<i32>} : memref<640xf32, #tpu.memory_space<vmem>>, vector<16xf32>,
    %swap3A_402 = vector.shape_cast %swap3A_401 : vector<16xf32> to vector<16xf32>
    %swap3A_403 = vector.shape_cast %div3A_399 : vector<16xf32> to vector<16xf32>
    tpu.vector_store %arg11[%swap3A_400], %swap3A_403 {strides = array<i32>} : memref<640xf32, #tpu.memory_space<vmem>>, vector<16xf32>,
    %get3A_404 = arith.constant 112 : index
    %get3A_405 = tpu.vector_load %arg13[%get3A_404] {strides = array<i32>} : memref<640xf32, #tpu.memory_space<vmem>>, vector<16xf32>,
    %get3A_406 = vector.shape_cast %get3A_405 : vector<16xf32> to vector<16xf32>
    %get3A_407 = arith.constant 112 : index
    %get3A_408 = tpu.vector_load %arg11[%get3A_407] {strides = array<i32>} : memref<640xf32, #tpu.memory_space<vmem>>, vector<16xf32>,
    %get3A_409 = vector.shape_cast %get3A_408 : vector<16xf32> to vector<16xf32>
    %sub3A_410 = arith.subf %get3A_406, %get3A_409 : vector<16xf32>
    %get3A_411 = arith.constant 112 : index
    %get3A_412 = tpu.vector_load %arg12[%get3A_411] {strides = array<i32>} : memref<640xf32, #tpu.memory_space<vmem>>, vector<16xf32>,
    %get3A_413 = vector.shape_cast %get3A_412 : vector<16xf32> to vector<16xf32>
    %div3A_414 = arith.divf %sub3A_410, %get3A_413 : vector<16xf32>
    %swap3A_415 = arith.constant 112 : index
    %swap3A_416 = tpu.vector_load %arg11[%swap3A_415] {strides = array<i32>} : memref<640xf32, #tpu.memory_space<vmem>>, vector<16xf32>,
    %swap3A_417 = vector.shape_cast %swap3A_416 : vector<16xf32> to vector<16xf32>
    %swap3A_418 = vector.shape_cast %div3A_414 : vector<16xf32> to vector<16xf32>
    tpu.vector_store %arg11[%swap3A_415], %swap3A_418 {strides = array<i32>} : memref<640xf32, #tpu.memory_space<vmem>>, vector<16xf32>,
    %get3A_419 = arith.constant 128 : index
    %get3A_420 = tpu.vector_load %arg13[%get3A_419] {strides = array<i32>} : memref<640xf32, #tpu.memory_space<vmem>>, vector<16xf32>,
    %get3A_421 = vector.shape_cast %get3A_420 : vector<16xf32> to vector<16xf32>
    %get3A_422 = arith.constant 128 : index
    %get3A_423 = tpu.vector_load %arg11[%get3A_422] {strides = array<i32>} : memref<640xf32, #tpu.memory_space<vmem>>, vector<16xf32>,
    %get3A_424 = vector.shape_cast %get3A_423 : vector<16xf32> to vector<16xf32>
    %sub3A_425 = arith.subf %get3A_421, %get3A_424 : vector<16xf32>
    %get3A_426 = arith.constant 128 : index
    %get3A_427 = tpu.vector_load %arg12[%get3A_426] {strides = array<i32>} : memref<640xf32, #tpu.memory_space<vmem>>, vector<16xf32>,
    %get3A_428 = vector.shape_cast %get3A_427 : vector<16xf32> to vector<16xf32>
    %div3A_429 = arith.divf %sub3A_425, %get3A_428 : vector<16xf32>
    %swap3A_430 = arith.constant 128 : index
    %swap3A_431 = tpu.vector_load %arg11[%swap3A_430] {strides = array<i32>} : memref<640xf32, #tpu.memory_space<vmem>>, vector<16xf32>,
    %swap3A_432 = vector.shape_cast %swap3A_431 : vector<16xf32> to vector<16xf32>
    %swap3A_433 = vector.shape_cast %div3A_429 : vector<16xf32> to vector<16xf32>
    tpu.vector_store %arg11[%swap3A_430], %swap3A_433 {strides = array<i32>} : memref<640xf32, #tpu.memory_space<vmem>>, vector<16xf32>,
    %get3A_434 = arith.constant 144 : index
    %get3A_435 = tpu.vector_load %arg13[%get3A_434] {strides = array<i32>} : memref<640xf32, #tpu.memory_space<vmem>>, vector<16xf32>,
    %get3A_436 = vector.shape_cast %get3A_435 : vector<16xf32> to vector<16xf32>
    %get3A_437 = arith.constant 144 : index
    %get3A_438 = tpu.vector_load %arg11[%get3A_437] {strides = array<i32>} : memref<640xf32, #tpu.memory_space<vmem>>, vector<16xf32>,
    %get3A_439 = vector.shape_cast %get3A_438 : vector<16xf32> to vector<16xf32>
    %sub3A_440 = arith.subf %get3A_436, %get3A_439 : vector<16xf32>
    %get3A_441 = arith.constant 144 : index
    %get3A_442 = tpu.vector_load %arg12[%get3A_441] {strides = array<i32>} : memref<640xf32, #tpu.memory_space<vmem>>, vector<16xf32>,
    %get3A_443 = vector.shape_cast %get3A_442 : vector<16xf32> to vector<16xf32>
    %div3A_444 = arith.divf %sub3A_440, %get3A_443 : vector<16xf32>
    %swap3A_445 = arith.constant 144 : index
    %swap3A_446 = tpu.vector_load %arg11[%swap3A_445] {strides = array<i32>} : memref<640xf32, #tpu.memory_space<vmem>>, vector<16xf32>,
    %swap3A_447 = vector.shape_cast %swap3A_446 : vector<16xf32> to vector<16xf32>
    %swap3A_448 = vector.shape_cast %div3A_444 : vector<16xf32> to vector<16xf32>
    tpu.vector_store %arg11[%swap3A_445], %swap3A_448 {strides = array<i32>} : memref<640xf32, #tpu.memory_space<vmem>>, vector<16xf32>,
    %get3A_449 = arith.constant 160 : index
    %get3A_450 = tpu.vector_load %arg13[%get3A_449] {strides = array<i32>} : memref<640xf32, #tpu.memory_space<vmem>>, vector<16xf32>,
    %get3A_451 = vector.shape_cast %get3A_450 : vector<16xf32> to vector<16xf32>
    %get3A_452 = arith.constant 160 : index
    %get3A_453 = tpu.vector_load %arg11[%get3A_452] {strides = array<i32>} : memref<640xf32, #tpu.memory_space<vmem>>, vector<16xf32>,
    %get3A_454 = vector.shape_cast %get3A_453 : vector<16xf32> to vector<16xf32>
    %sub3A_455 = arith.subf %get3A_451, %get3A_454 : vector<16xf32>
    %get3A_456 = arith.constant 160 : index
    %get3A_457 = tpu.vector_load %arg12[%get3A_456] {strides = array<i32>} : memref<640xf32, #tpu.memory_space<vmem>>, vector<16xf32>,
    %get3A_458 = vector.shape_cast %get3A_457 : vector<16xf32> to vector<16xf32>
    %div3A_459 = arith.divf %sub3A_455, %get3A_458 : vector<16xf32>
    %swap3A_460 = arith.constant 160 : index
    %swap3A_461 = tpu.vector_load %arg11[%swap3A_460] {strides = array<i32>} : memref<640xf32, #tpu.memory_space<vmem>>, vector<16xf32>,
    %swap3A_462 = vector.shape_cast %swap3A_461 : vector<16xf32> to vector<16xf32>
    %swap3A_463 = vector.shape_cast %div3A_459 : vector<16xf32> to vector<16xf32>
    tpu.vector_store %arg11[%swap3A_460], %swap3A_463 {strides = array<i32>} : memref<640xf32, #tpu.memory_space<vmem>>, vector<16xf32>,
    %get3A_464 = arith.constant 176 : index
    %get3A_465 = tpu.vector_load %arg13[%get3A_464] {strides = array<i32>} : memref<640xf32, #tpu.memory_space<vmem>>, vector<16xf32>,
    %get3A_466 = vector.shape_cast %get3A_465 : vector<16xf32> to vector<16xf32>
    %get3A_467 = arith.constant 176 : index
    %get3A_468 = tpu.vector_load %arg11[%get3A_467] {strides = array<i32>} : memref<640xf32, #tpu.memory_space<vmem>>, vector<16xf32>,
    %get3A_469 = vector.shape_cast %get3A_468 : vector<16xf32> to vector<16xf32>
    %sub3A_470 = arith.subf %get3A_466, %get3A_469 : vector<16xf32>
    %get3A_471 = arith.constant 176 : index
    %get3A_472 = tpu.vector_load %arg12[%get3A_471] {strides = array<i32>} : memref<640xf32, #tpu.memory_space<vmem>>, vector<16xf32>,
    %get3A_473 = vector.shape_cast %get3A_472 : vector<16xf32> to vector<16xf32>
    %div3A_474 = arith.divf %sub3A_470, %get3A_473 : vector<16xf32>
    %swap3A_475 = arith.constant 176 : index
    %swap3A_476 = tpu.vector_load %arg11[%swap3A_475] {strides = array<i32>} : memref<640xf32, #tpu.memory_space<vmem>>, vector<16xf32>,
    %swap3A_477 = vector.shape_cast %swap3A_476 : vector<16xf32> to vector<16xf32>
    %swap3A_478 = vector.shape_cast %div3A_474 : vector<16xf32> to vector<16xf32>
    tpu.vector_store %arg11[%swap3A_475], %swap3A_478 {strides = array<i32>} : memref<640xf32, #tpu.memory_space<vmem>>, vector<16xf32>,
    %get3A_479 = arith.constant 192 : index
    %get3A_480 = tpu.vector_load %arg13[%get3A_479] {strides = array<i32>} : memref<640xf32, #tpu.memory_space<vmem>>, vector<16xf32>,
    %get3A_481 = vector.shape_cast %get3A_480 : vector<16xf32> to vector<16xf32>
    %get3A_482 = arith.constant 192 : index
    %get3A_483 = tpu.vector_load %arg11[%get3A_482] {strides = array<i32>} : memref<640xf32, #tpu.memory_space<vmem>>, vector<16xf32>,
    %get3A_484 = vector.shape_cast %get3A_483 : vector<16xf32> to vector<16xf32>
    %sub3A_485 = arith.subf %get3A_481, %get3A_484 : vector<16xf32>
    %get3A_486 = arith.constant 192 : index
    %get3A_487 = tpu.vector_load %arg12[%get3A_486] {strides = array<i32>} : memref<640xf32, #tpu.memory_space<vmem>>, vector<16xf32>,
    %get3A_488 = vector.shape_cast %get3A_487 : vector<16xf32> to vector<16xf32>
    %div3A_489 = arith.divf %sub3A_485, %get3A_488 : vector<16xf32>
    %swap3A_490 = arith.constant 192 : index
    %swap3A_491 = tpu.vector_load %arg11[%swap3A_490] {strides = array<i32>} : memref<640xf32, #tpu.memory_space<vmem>>, vector<16xf32>,
    %swap3A_492 = vector.shape_cast %swap3A_491 : vector<16xf32> to vector<16xf32>
    %swap3A_493 = vector.shape_cast %div3A_489 : vector<16xf32> to vector<16xf32>
    tpu.vector_store %arg11[%swap3A_490], %swap3A_493 {strides = array<i32>} : memref<640xf32, #tpu.memory_space<vmem>>, vector<16xf32>,
    %get3A_494 = arith.constant 208 : index
    %get3A_495 = tpu.vector_load %arg13[%get3A_494] {strides = array<i32>} : memref<640xf32, #tpu.memory_space<vmem>>, vector<16xf32>,
    %get3A_496 = vector.shape_cast %get3A_495 : vector<16xf32> to vector<16xf32>
    %get3A_497 = arith.constant 208 : index
    %get3A_498 = tpu.vector_load %arg11[%get3A_497] {strides = array<i32>} : memref<640xf32, #tpu.memory_space<vmem>>, vector<16xf32>,
    %get3A_499 = vector.shape_cast %get3A_498 : vector<16xf32> to vector<16xf32>
    %sub3A_500 = arith.subf %get3A_496, %get3A_499 : vector<16xf32>
    %get3A_501 = arith.constant 208 : index
    %get3A_502 = tpu.vector_load %arg12[%get3A_501] {strides = array<i32>} : memref<640xf32, #tpu.memory_space<vmem>>, vector<16xf32>,
    %get3A_503 = vector.shape_cast %get3A_502 : vector<16xf32> to vector<16xf32>
    %div3A_504 = arith.divf %sub3A_500, %get3A_503 : vector<16xf32>
    %swap3A_505 = arith.constant 208 : index
    %swap3A_506 = tpu.vector_load %arg11[%swap3A_505] {strides = array<i32>} : memref<640xf32, #tpu.memory_space<vmem>>, vector<16xf32>,
    %swap3A_507 = vector.shape_cast %swap3A_506 : vector<16xf32> to vector<16xf32>
    %swap3A_508 = vector.shape_cast %div3A_504 : vector<16xf32> to vector<16xf32>
    tpu.vector_store %arg11[%swap3A_505], %swap3A_508 {strides = array<i32>} : memref<640xf32, #tpu.memory_space<vmem>>, vector<16xf32>,
    %get3A_509 = arith.constant 224 : index
    %get3A_510 = tpu.vector_load %arg13[%get3A_509] {strides = array<i32>} : memref<640xf32, #tpu.memory_space<vmem>>, vector<16xf32>,
    %get3A_511 = vector.shape_cast %get3A_510 : vector<16xf32> to vector<16xf32>
    %get3A_512 = arith.constant 224 : index
    %get3A_513 = tpu.vector_load %arg11[%get3A_512] {strides = array<i32>} : memref<640xf32, #tpu.memory_space<vmem>>, vector<16xf32>,
    %get3A_514 = vector.shape_cast %get3A_513 : vector<16xf32> to vector<16xf32>
    %sub3A_515 = arith.subf %get3A_511, %get3A_514 : vector<16xf32>
    %get3A_516 = arith.constant 224 : index
    %get3A_517 = tpu.vector_load %arg12[%get3A_516] {strides = array<i32>} : memref<640xf32, #tpu.memory_space<vmem>>, vector<16xf32>,
    %get3A_518 = vector.shape_cast %get3A_517 : vector<16xf32> to vector<16xf32>
    %div3A_519 = arith.divf %sub3A_515, %get3A_518 : vector<16xf32>
    %swap3A_520 = arith.constant 224 : index
    %swap3A_521 = tpu.vector_load %arg11[%swap3A_520] {strides = array<i32>} : memref<640xf32, #tpu.memory_space<vmem>>, vector<16xf32>,
    %swap3A_522 = vector.shape_cast %swap3A_521 : vector<16xf32> to vector<16xf32>
    %swap3A_523 = vector.shape_cast %div3A_519 : vector<16xf32> to vector<16xf32>
    tpu.vector_store %arg11[%swap3A_520], %swap3A_523 {strides = array<i32>} : memref<640xf32, #tpu.memory_space<vmem>>, vector<16xf32>,
    %get3A_524 = arith.constant 240 : index
    %get3A_525 = tpu.vector_load %arg13[%get3A_524] {strides = array<i32>} : memref<640xf32, #tpu.memory_space<vmem>>, vector<16xf32>,
    %get3A_526 = vector.shape_cast %get3A_525 : vector<16xf32> to vector<16xf32>
    %get3A_527 = arith.constant 240 : index
    %get3A_528 = tpu.vector_load %arg11[%get3A_527] {strides = array<i32>} : memref<640xf32, #tpu.memory_space<vmem>>, vector<16xf32>,
    %get3A_529 = vector.shape_cast %get3A_528 : vector<16xf32> to vector<16xf32>
    %sub3A_530 = arith.subf %get3A_526, %get3A_529 : vector<16xf32>
    %get3A_531 = arith.constant 240 : index
    %get3A_532 = tpu.vector_load %arg12[%get3A_531] {strides = array<i32>} : memref<640xf32, #tpu.memory_space<vmem>>, vector<16xf32>,
    %get3A_533 = vector.shape_cast %get3A_532 : vector<16xf32> to vector<16xf32>
    %div3A_534 = arith.divf %sub3A_530, %get3A_533 : vector<16xf32>
    %swap3A_535 = arith.constant 240 : index
    %swap3A_536 = tpu.vector_load %arg11[%swap3A_535] {strides = array<i32>} : memref<640xf32, #tpu.memory_space<vmem>>, vector<16xf32>,
    %swap3A_537 = vector.shape_cast %swap3A_536 : vector<16xf32> to vector<16xf32>
    %swap3A_538 = vector.shape_cast %div3A_534 : vector<16xf32> to vector<16xf32>
    tpu.vector_store %arg11[%swap3A_535], %swap3A_538 {strides = array<i32>} : memref<640xf32, #tpu.memory_space<vmem>>, vector<16xf32>,
    %get3A_539 = arith.constant 256 : index
    %get3A_540 = tpu.vector_load %arg13[%get3A_539] {strides = array<i32>} : memref<640xf32, #tpu.memory_space<vmem>>, vector<16xf32>,
    %get3A_541 = vector.shape_cast %get3A_540 : vector<16xf32> to vector<16xf32>
    %get3A_542 = arith.constant 256 : index
    %get3A_543 = tpu.vector_load %arg11[%get3A_542] {strides = array<i32>} : memref<640xf32, #tpu.memory_space<vmem>>, vector<16xf32>,
    %get3A_544 = vector.shape_cast %get3A_543 : vector<16xf32> to vector<16xf32>
    %sub3A_545 = arith.subf %get3A_541, %get3A_544 : vector<16xf32>
    %get3A_546 = arith.constant 256 : index
    %get3A_547 = tpu.vector_load %arg12[%get3A_546] {strides = array<i32>} : memref<640xf32, #tpu.memory_space<vmem>>, vector<16xf32>,
    %get3A_548 = vector.shape_cast %get3A_547 : vector<16xf32> to vector<16xf32>
    %div3A_549 = arith.divf %sub3A_545, %get3A_548 : vector<16xf32>
    %swap3A_550 = arith.constant 256 : index
    %swap3A_551 = tpu.vector_load %arg11[%swap3A_550] {strides = array<i32>} : memref<640xf32, #tpu.memory_space<vmem>>, vector<16xf32>,
    %swap3A_552 = vector.shape_cast %swap3A_551 : vector<16xf32> to vector<16xf32>
    %swap3A_553 = vector.shape_cast %div3A_549 : vector<16xf32> to vector<16xf32>
    tpu.vector_store %arg11[%swap3A_550], %swap3A_553 {strides = array<i32>} : memref<640xf32, #tpu.memory_space<vmem>>, vector<16xf32>,
    %get3A_554 = arith.constant 272 : index
    %get3A_555 = tpu.vector_load %arg13[%get3A_554] {strides = array<i32>} : memref<640xf32, #tpu.memory_space<vmem>>, vector<16xf32>,
    %get3A_556 = vector.shape_cast %get3A_555 : vector<16xf32> to vector<16xf32>
    %get3A_557 = arith.constant 272 : index
    %get3A_558 = tpu.vector_load %arg11[%get3A_557] {strides = array<i32>} : memref<640xf32, #tpu.memory_space<vmem>>, vector<16xf32>,
    %get3A_559 = vector.shape_cast %get3A_558 : vector<16xf32> to vector<16xf32>
    %sub3A_560 = arith.subf %get3A_556, %get3A_559 : vector<16xf32>
    %get3A_561 = arith.constant 272 : index
    %get3A_562 = tpu.vector_load %arg12[%get3A_561] {strides = array<i32>} : memref<640xf32, #tpu.memory_space<vmem>>, vector<16xf32>,
    %get3A_563 = vector.shape_cast %get3A_562 : vector<16xf32> to vector<16xf32>
    %div3A_564 = arith.divf %sub3A_560, %get3A_563 : vector<16xf32>
    %swap3A_565 = arith.constant 272 : index
    %swap3A_566 = tpu.vector_load %arg11[%swap3A_565] {strides = array<i32>} : memref<640xf32, #tpu.memory_space<vmem>>, vector<16xf32>,
    %swap3A_567 = vector.shape_cast %swap3A_566 : vector<16xf32> to vector<16xf32>
    %swap3A_568 = vector.shape_cast %div3A_564 : vector<16xf32> to vector<16xf32>
    tpu.vector_store %arg11[%swap3A_565], %swap3A_568 {strides = array<i32>} : memref<640xf32, #tpu.memory_space<vmem>>, vector<16xf32>,
    %get3A_569 = arith.constant 288 : index
    %get3A_570 = tpu.vector_load %arg13[%get3A_569] {strides = array<i32>} : memref<640xf32, #tpu.memory_space<vmem>>, vector<16xf32>,
    %get3A_571 = vector.shape_cast %get3A_570 : vector<16xf32> to vector<16xf32>
    %get3A_572 = arith.constant 288 : index
    %get3A_573 = tpu.vector_load %arg11[%get3A_572] {strides = array<i32>} : memref<640xf32, #tpu.memory_space<vmem>>, vector<16xf32>,
    %get3A_574 = vector.shape_cast %get3A_573 : vector<16xf32> to vector<16xf32>
    %sub3A_575 = arith.subf %get3A_571, %get3A_574 : vector<16xf32>
    %get3A_576 = arith.constant 288 : index
    %get3A_577 = tpu.vector_load %arg12[%get3A_576] {strides = array<i32>} : memref<640xf32, #tpu.memory_space<vmem>>, vector<16xf32>,
    %get3A_578 = vector.shape_cast %get3A_577 : vector<16xf32> to vector<16xf32>
    %div3A_579 = arith.divf %sub3A_575, %get3A_578 : vector<16xf32>
    %swap3A_580 = arith.constant 288 : index
    %swap3A_581 = tpu.vector_load %arg11[%swap3A_580] {strides = array<i32>} : memref<640xf32, #tpu.memory_space<vmem>>, vector<16xf32>,
    %swap3A_582 = vector.shape_cast %swap3A_581 : vector<16xf32> to vector<16xf32>
    %swap3A_583 = vector.shape_cast %div3A_579 : vector<16xf32> to vector<16xf32>
    tpu.vector_store %arg11[%swap3A_580], %swap3A_583 {strides = array<i32>} : memref<640xf32, #tpu.memory_space<vmem>>, vector<16xf32>,
    %get3A_584 = arith.constant 304 : index
    %get3A_585 = tpu.vector_load %arg13[%get3A_584] {strides = array<i32>} : memref<640xf32, #tpu.memory_space<vmem>>, vector<16xf32>,
    %get3A_586 = vector.shape_cast %get3A_585 : vector<16xf32> to vector<16xf32>
    %get3A_587 = arith.constant 304 : index
    %get3A_588 = tpu.vector_load %arg11[%get3A_587] {strides = array<i32>} : memref<640xf32, #tpu.memory_space<vmem>>, vector<16xf32>,
    %get3A_589 = vector.shape_cast %get3A_588 : vector<16xf32> to vector<16xf32>
    %sub3A_590 = arith.subf %get3A_586, %get3A_589 : vector<16xf32>
    %get3A_591 = arith.constant 304 : index
    %get3A_592 = tpu.vector_load %arg12[%get3A_591] {strides = array<i32>} : memref<640xf32, #tpu.memory_space<vmem>>, vector<16xf32>,
    %get3A_593 = vector.shape_cast %get3A_592 : vector<16xf32> to vector<16xf32>
    %div3A_594 = arith.divf %sub3A_590, %get3A_593 : vector<16xf32>
    %swap3A_595 = arith.constant 304 : index
    %swap3A_596 = tpu.vector_load %arg11[%swap3A_595] {strides = array<i32>} : memref<640xf32, #tpu.memory_space<vmem>>, vector<16xf32>,
    %swap3A_597 = vector.shape_cast %swap3A_596 : vector<16xf32> to vector<16xf32>
    %swap3A_598 = vector.shape_cast %div3A_594 : vector<16xf32> to vector<16xf32>
    tpu.vector_store %arg11[%swap3A_595], %swap3A_598 {strides = array<i32>} : memref<640xf32, #tpu.memory_space<vmem>>, vector<16xf32>,
    %get3A_599 = arith.constant 320 : index
    %get3A_600 = tpu.vector_load %arg13[%get3A_599] {strides = array<i32>} : memref<640xf32, #tpu.memory_space<vmem>>, vector<16xf32>,
    %get3A_601 = vector.shape_cast %get3A_600 : vector<16xf32> to vector<16xf32>
    %get3A_602 = arith.constant 320 : index
    %get3A_603 = tpu.vector_load %arg11[%get3A_602] {strides = array<i32>} : memref<640xf32, #tpu.memory_space<vmem>>, vector<16xf32>,
    %get3A_604 = vector.shape_cast %get3A_603 : vector<16xf32> to vector<16xf32>
    %sub3A_605 = arith.subf %get3A_601, %get3A_604 : vector<16xf32>
    %get3A_606 = arith.constant 320 : index
    %get3A_607 = tpu.vector_load %arg12[%get3A_606] {strides = array<i32>} : memref<640xf32, #tpu.memory_space<vmem>>, vector<16xf32>,
    %get3A_608 = vector.shape_cast %get3A_607 : vector<16xf32> to vector<16xf32>
    %div3A_609 = arith.divf %sub3A_605, %get3A_608 : vector<16xf32>
    %swap3A_610 = arith.constant 320 : index
    %swap3A_611 = tpu.vector_load %arg11[%swap3A_610] {strides = array<i32>} : memref<640xf32, #tpu.memory_space<vmem>>, vector<16xf32>,
    %swap3A_612 = vector.shape_cast %swap3A_611 : vector<16xf32> to vector<16xf32>
    %swap3A_613 = vector.shape_cast %div3A_609 : vector<16xf32> to vector<16xf32>
    tpu.vector_store %arg11[%swap3A_610], %swap3A_613 {strides = array<i32>} : memref<640xf32, #tpu.memory_space<vmem>>, vector<16xf32>,
    %get3A_614 = arith.constant 336 : index
    %get3A_615 = tpu.vector_load %arg13[%get3A_614] {strides = array<i32>} : memref<640xf32, #tpu.memory_space<vmem>>, vector<16xf32>,
    %get3A_616 = vector.shape_cast %get3A_615 : vector<16xf32> to vector<16xf32>
    %get3A_617 = arith.constant 336 : index
    %get3A_618 = tpu.vector_load %arg11[%get3A_617] {strides = array<i32>} : memref<640xf32, #tpu.memory_space<vmem>>, vector<16xf32>,
    %get3A_619 = vector.shape_cast %get3A_618 : vector<16xf32> to vector<16xf32>
    %sub3A_620 = arith.subf %get3A_616, %get3A_619 : vector<16xf32>
    %get3A_621 = arith.constant 336 : index
    %get3A_622 = tpu.vector_load %arg12[%get3A_621] {strides = array<i32>} : memref<640xf32, #tpu.memory_space<vmem>>, vector<16xf32>,
    %get3A_623 = vector.shape_cast %get3A_622 : vector<16xf32> to vector<16xf32>
    %div3A_624 = arith.divf %sub3A_620, %get3A_623 : vector<16xf32>
    %swap3A_625 = arith.constant 336 : index
    %swap3A_626 = tpu.vector_load %arg11[%swap3A_625] {strides = array<i32>} : memref<640xf32, #tpu.memory_space<vmem>>, vector<16xf32>,
    %swap3A_627 = vector.shape_cast %swap3A_626 : vector<16xf32> to vector<16xf32>
    %swap3A_628 = vector.shape_cast %div3A_624 : vector<16xf32> to vector<16xf32>
    tpu.vector_store %arg11[%swap3A_625], %swap3A_628 {strides = array<i32>} : memref<640xf32, #tpu.memory_space<vmem>>, vector<16xf32>,
    %get3A_629 = arith.constant 352 : index
    %get3A_630 = tpu.vector_load %arg13[%get3A_629] {strides = array<i32>} : memref<640xf32, #tpu.memory_space<vmem>>, vector<16xf32>,
    %get3A_631 = vector.shape_cast %get3A_630 : vector<16xf32> to vector<16xf32>
    %get3A_632 = arith.constant 352 : index
    %get3A_633 = tpu.vector_load %arg11[%get3A_632] {strides = array<i32>} : memref<640xf32, #tpu.memory_space<vmem>>, vector<16xf32>,
    %get3A_634 = vector.shape_cast %get3A_633 : vector<16xf32> to vector<16xf32>
    %sub3A_635 = arith.subf %get3A_631, %get3A_634 : vector<16xf32>
    %get3A_636 = arith.constant 352 : index
    %get3A_637 = tpu.vector_load %arg12[%get3A_636] {strides = array<i32>} : memref<640xf32, #tpu.memory_space<vmem>>, vector<16xf32>,
    %get3A_638 = vector.shape_cast %get3A_637 : vector<16xf32> to vector<16xf32>
    %div3A_639 = arith.divf %sub3A_635, %get3A_638 : vector<16xf32>
    %swap3A_640 = arith.constant 352 : index
    %swap3A_641 = tpu.vector_load %arg11[%swap3A_640] {strides = array<i32>} : memref<640xf32, #tpu.memory_space<vmem>>, vector<16xf32>,
    %swap3A_642 = vector.shape_cast %swap3A_641 : vector<16xf32> to vector<16xf32>
    %swap3A_643 = vector.shape_cast %div3A_639 : vector<16xf32> to vector<16xf32>
    tpu.vector_store %arg11[%swap3A_640], %swap3A_643 {strides = array<i32>} : memref<640xf32, #tpu.memory_space<vmem>>, vector<16xf32>,
    %get3A_644 = arith.constant 368 : index
    %get3A_645 = tpu.vector_load %arg13[%get3A_644] {strides = array<i32>} : memref<640xf32, #tpu.memory_space<vmem>>, vector<16xf32>,
    %get3A_646 = vector.shape_cast %get3A_645 : vector<16xf32> to vector<16xf32>
    %get3A_647 = arith.constant 368 : index
    %get3A_648 = tpu.vector_load %arg11[%get3A_647] {strides = array<i32>} : memref<640xf32, #tpu.memory_space<vmem>>, vector<16xf32>,
    %get3A_649 = vector.shape_cast %get3A_648 : vector<16xf32> to vector<16xf32>
    %sub3A_650 = arith.subf %get3A_646, %get3A_649 : vector<16xf32>
    %get3A_651 = arith.constant 368 : index
    %get3A_652 = tpu.vector_load %arg12[%get3A_651] {strides = array<i32>} : memref<640xf32, #tpu.memory_space<vmem>>, vector<16xf32>,
    %get3A_653 = vector.shape_cast %get3A_652 : vector<16xf32> to vector<16xf32>
    %div3A_654 = arith.divf %sub3A_650, %get3A_653 : vector<16xf32>
    %swap3A_655 = arith.constant 368 : index
    %swap3A_656 = tpu.vector_load %arg11[%swap3A_655] {strides = array<i32>} : memref<640xf32, #tpu.memory_space<vmem>>, vector<16xf32>,
    %swap3A_657 = vector.shape_cast %swap3A_656 : vector<16xf32> to vector<16xf32>
    %swap3A_658 = vector.shape_cast %div3A_654 : vector<16xf32> to vector<16xf32>
    tpu.vector_store %arg11[%swap3A_655], %swap3A_658 {strides = array<i32>} : memref<640xf32, #tpu.memory_space<vmem>>, vector<16xf32>,
    %get3A_659 = arith.constant 384 : index
    %get3A_660 = tpu.vector_load %arg13[%get3A_659] {strides = array<i32>} : memref<640xf32, #tpu.memory_space<vmem>>, vector<16xf32>,
    %get3A_661 = vector.shape_cast %get3A_660 : vector<16xf32> to vector<16xf32>
    %get3A_662 = arith.constant 384 : index
    %get3A_663 = tpu.vector_load %arg11[%get3A_662] {strides = array<i32>} : memref<640xf32, #tpu.memory_space<vmem>>, vector<16xf32>,
    %get3A_664 = vector.shape_cast %get3A_663 : vector<16xf32> to vector<16xf32>
    %sub3A_665 = arith.subf %get3A_661, %get3A_664 : vector<16xf32>
    %get3A_666 = arith.constant 384 : index
    %get3A_667 = tpu.vector_load %arg12[%get3A_666] {strides = array<i32>} : memref<640xf32, #tpu.memory_space<vmem>>, vector<16xf32>,
    %get3A_668 = vector.shape_cast %get3A_667 : vector<16xf32> to vector<16xf32>
    %div3A_669 = arith.divf %sub3A_665, %get3A_668 : vector<16xf32>
    %swap3A_670 = arith.constant 384 : index
    %swap3A_671 = tpu.vector_load %arg11[%swap3A_670] {strides = array<i32>} : memref<640xf32, #tpu.memory_space<vmem>>, vector<16xf32>,
    %swap3A_672 = vector.shape_cast %swap3A_671 : vector<16xf32> to vector<16xf32>
    %swap3A_673 = vector.shape_cast %div3A_669 : vector<16xf32> to vector<16xf32>
    tpu.vector_store %arg11[%swap3A_670], %swap3A_673 {strides = array<i32>} : memref<640xf32, #tpu.memory_space<vmem>>, vector<16xf32>,
    %get3A_674 = arith.constant 400 : index
    %get3A_675 = tpu.vector_load %arg13[%get3A_674] {strides = array<i32>} : memref<640xf32, #tpu.memory_space<vmem>>, vector<16xf32>,
    %get3A_676 = vector.shape_cast %get3A_675 : vector<16xf32> to vector<16xf32>
    %get3A_677 = arith.constant 400 : index
    %get3A_678 = tpu.vector_load %arg11[%get3A_677] {strides = array<i32>} : memref<640xf32, #tpu.memory_space<vmem>>, vector<16xf32>,
    %get3A_679 = vector.shape_cast %get3A_678 : vector<16xf32> to vector<16xf32>
    %sub3A_680 = arith.subf %get3A_676, %get3A_679 : vector<16xf32>
    %get3A_681 = arith.constant 400 : index
    %get3A_682 = tpu.vector_load %arg12[%get3A_681] {strides = array<i32>} : memref<640xf32, #tpu.memory_space<vmem>>, vector<16xf32>,
    %get3A_683 = vector.shape_cast %get3A_682 : vector<16xf32> to vector<16xf32>
    %div3A_684 = arith.divf %sub3A_680, %get3A_683 : vector<16xf32>
    %swap3A_685 = arith.constant 400 : index
    %swap3A_686 = tpu.vector_load %arg11[%swap3A_685] {strides = array<i32>} : memref<640xf32, #tpu.memory_space<vmem>>, vector<16xf32>,
    %swap3A_687 = vector.shape_cast %swap3A_686 : vector<16xf32> to vector<16xf32>
    %swap3A_688 = vector.shape_cast %div3A_684 : vector<16xf32> to vector<16xf32>
    tpu.vector_store %arg11[%swap3A_685], %swap3A_688 {strides = array<i32>} : memref<640xf32, #tpu.memory_space<vmem>>, vector<16xf32>,
    %get3A_689 = arith.constant 416 : index
    %get3A_690 = tpu.vector_load %arg13[%get3A_689] {strides = array<i32>} : memref<640xf32, #tpu.memory_space<vmem>>, vector<16xf32>,
    %get3A_691 = vector.shape_cast %get3A_690 : vector<16xf32> to vector<16xf32>
    %get3A_692 = arith.constant 416 : index
    %get3A_693 = tpu.vector_load %arg11[%get3A_692] {strides = array<i32>} : memref<640xf32, #tpu.memory_space<vmem>>, vector<16xf32>,
    %get3A_694 = vector.shape_cast %get3A_693 : vector<16xf32> to vector<16xf32>
    %sub3A_695 = arith.subf %get3A_691, %get3A_694 : vector<16xf32>
    %get3A_696 = arith.constant 416 : index
    %get3A_697 = tpu.vector_load %arg12[%get3A_696] {strides = array<i32>} : memref<640xf32, #tpu.memory_space<vmem>>, vector<16xf32>,
    %get3A_698 = vector.shape_cast %get3A_697 : vector<16xf32> to vector<16xf32>
    %div3A_699 = arith.divf %sub3A_695, %get3A_698 : vector<16xf32>
    %swap3A_700 = arith.constant 416 : index
    %swap3A_701 = tpu.vector_load %arg11[%swap3A_700] {strides = array<i32>} : memref<640xf32, #tpu.memory_space<vmem>>, vector<16xf32>,
    %swap3A_702 = vector.shape_cast %swap3A_701 : vector<16xf32> to vector<16xf32>
    %swap3A_703 = vector.shape_cast %div3A_699 : vector<16xf32> to vector<16xf32>
    tpu.vector_store %arg11[%swap3A_700], %swap3A_703 {strides = array<i32>} : memref<640xf32, #tpu.memory_space<vmem>>, vector<16xf32>,
    %get3A_704 = arith.constant 432 : index
    %get3A_705 = tpu.vector_load %arg13[%get3A_704] {strides = array<i32>} : memref<640xf32, #tpu.memory_space<vmem>>, vector<16xf32>,
    %get3A_706 = vector.shape_cast %get3A_705 : vector<16xf32> to vector<16xf32>
    %get3A_707 = arith.constant 432 : index
    %get3A_708 = tpu.vector_load %arg11[%get3A_707] {strides = array<i32>} : memref<640xf32, #tpu.memory_space<vmem>>, vector<16xf32>,
    %get3A_709 = vector.shape_cast %get3A_708 : vector<16xf32> to vector<16xf32>
    %sub3A_710 = arith.subf %get3A_706, %get3A_709 : vector<16xf32>
    %get3A_711 = arith.constant 432 : index
    %get3A_712 = tpu.vector_load %arg12[%get3A_711] {strides = array<i32>} : memref<640xf32, #tpu.memory_space<vmem>>, vector<16xf32>,
    %get3A_713 = vector.shape_cast %get3A_712 : vector<16xf32> to vector<16xf32>
    %div3A_714 = arith.divf %sub3A_710, %get3A_713 : vector<16xf32>
    %swap3A_715 = arith.constant 432 : index
    %swap3A_716 = tpu.vector_load %arg11[%swap3A_715] {strides = array<i32>} : memref<640xf32, #tpu.memory_space<vmem>>, vector<16xf32>,
    %swap3A_717 = vector.shape_cast %swap3A_716 : vector<16xf32> to vector<16xf32>
    %swap3A_718 = vector.shape_cast %div3A_714 : vector<16xf32> to vector<16xf32>
    tpu.vector_store %arg11[%swap3A_715], %swap3A_718 {strides = array<i32>} : memref<640xf32, #tpu.memory_space<vmem>>, vector<16xf32>,
    %get3A_719 = arith.constant 448 : index
    %get3A_720 = tpu.vector_load %arg13[%get3A_719] {strides = array<i32>} : memref<640xf32, #tpu.memory_space<vmem>>, vector<16xf32>,
    %get3A_721 = vector.shape_cast %get3A_720 : vector<16xf32> to vector<16xf32>
    %get3A_722 = arith.constant 448 : index
    %get3A_723 = tpu.vector_load %arg11[%get3A_722] {strides = array<i32>} : memref<640xf32, #tpu.memory_space<vmem>>, vector<16xf32>,
    %get3A_724 = vector.shape_cast %get3A_723 : vector<16xf32> to vector<16xf32>
    %sub3A_725 = arith.subf %get3A_721, %get3A_724 : vector<16xf32>
    %get3A_726 = arith.constant 448 : index
    %get3A_727 = tpu.vector_load %arg12[%get3A_726] {strides = array<i32>} : memref<640xf32, #tpu.memory_space<vmem>>, vector<16xf32>,
    %get3A_728 = vector.shape_cast %get3A_727 : vector<16xf32> to vector<16xf32>
    %div3A_729 = arith.divf %sub3A_725, %get3A_728 : vector<16xf32>
    %swap3A_730 = arith.constant 448 : index
    %swap3A_731 = tpu.vector_load %arg11[%swap3A_730] {strides = array<i32>} : memref<640xf32, #tpu.memory_space<vmem>>, vector<16xf32>,
    %swap3A_732 = vector.shape_cast %swap3A_731 : vector<16xf32> to vector<16xf32>
    %swap3A_733 = vector.shape_cast %div3A_729 : vector<16xf32> to vector<16xf32>
    tpu.vector_store %arg11[%swap3A_730], %swap3A_733 {strides = array<i32>} : memref<640xf32, #tpu.memory_space<vmem>>, vector<16xf32>,
    %get3A_734 = arith.constant 464 : index
    %get3A_735 = tpu.vector_load %arg13[%get3A_734] {strides = array<i32>} : memref<640xf32, #tpu.memory_space<vmem>>, vector<16xf32>,
    %get3A_736 = vector.shape_cast %get3A_735 : vector<16xf32> to vector<16xf32>
    %get3A_737 = arith.constant 464 : index
    %get3A_738 = tpu.vector_load %arg11[%get3A_737] {strides = array<i32>} : memref<640xf32, #tpu.memory_space<vmem>>, vector<16xf32>,
    %get3A_739 = vector.shape_cast %get3A_738 : vector<16xf32> to vector<16xf32>
    %sub3A_740 = arith.subf %get3A_736, %get3A_739 : vector<16xf32>
    %get3A_741 = arith.constant 464 : index
    %get3A_742 = tpu.vector_load %arg12[%get3A_741] {strides = array<i32>} : memref<640xf32, #tpu.memory_space<vmem>>, vector<16xf32>,
    %get3A_743 = vector.shape_cast %get3A_742 : vector<16xf32> to vector<16xf32>
    %div3A_744 = arith.divf %sub3A_740, %get3A_743 : vector<16xf32>
    %swap3A_745 = arith.constant 464 : index
    %swap3A_746 = tpu.vector_load %arg11[%swap3A_745] {strides = array<i32>} : memref<640xf32, #tpu.memory_space<vmem>>, vector<16xf32>,
    %swap3A_747 = vector.shape_cast %swap3A_746 : vector<16xf32> to vector<16xf32>
    %swap3A_748 = vector.shape_cast %div3A_744 : vector<16xf32> to vector<16xf32>
    tpu.vector_store %arg11[%swap3A_745], %swap3A_748 {strides = array<i32>} : memref<640xf32, #tpu.memory_space<vmem>>, vector<16xf32>,
    %get3A_749 = arith.constant 480 : index
    %get3A_750 = tpu.vector_load %arg13[%get3A_749] {strides = array<i32>} : memref<640xf32, #tpu.memory_space<vmem>>, vector<16xf32>,
    %get3A_751 = vector.shape_cast %get3A_750 : vector<16xf32> to vector<16xf32>
    %get3A_752 = arith.constant 480 : index
    %get3A_753 = tpu.vector_load %arg11[%get3A_752] {strides = array<i32>} : memref<640xf32, #tpu.memory_space<vmem>>, vector<16xf32>,
    %get3A_754 = vector.shape_cast %get3A_753 : vector<16xf32> to vector<16xf32>
    %sub3A_755 = arith.subf %get3A_751, %get3A_754 : vector<16xf32>
    %get3A_756 = arith.constant 480 : index
    %get3A_757 = tpu.vector_load %arg12[%get3A_756] {strides = array<i32>} : memref<640xf32, #tpu.memory_space<vmem>>, vector<16xf32>,
    %get3A_758 = vector.shape_cast %get3A_757 : vector<16xf32> to vector<16xf32>
    %div3A_759 = arith.divf %sub3A_755, %get3A_758 : vector<16xf32>
    %swap3A_760 = arith.constant 480 : index
    %swap3A_761 = tpu.vector_load %arg11[%swap3A_760] {strides = array<i32>} : memref<640xf32, #tpu.memory_space<vmem>>, vector<16xf32>,
    %swap3A_762 = vector.shape_cast %swap3A_761 : vector<16xf32> to vector<16xf32>
    %swap3A_763 = vector.shape_cast %div3A_759 : vector<16xf32> to vector<16xf32>
    tpu.vector_store %arg11[%swap3A_760], %swap3A_763 {strides = array<i32>} : memref<640xf32, #tpu.memory_space<vmem>>, vector<16xf32>,
    %get3A_764 = arith.constant 496 : index
    %get3A_765 = tpu.vector_load %arg13[%get3A_764] {strides = array<i32>} : memref<640xf32, #tpu.memory_space<vmem>>, vector<16xf32>,
    %get3A_766 = vector.shape_cast %get3A_765 : vector<16xf32> to vector<16xf32>
    %get3A_767 = arith.constant 496 : index
    %get3A_768 = tpu.vector_load %arg11[%get3A_767] {strides = array<i32>} : memref<640xf32, #tpu.memory_space<vmem>>, vector<16xf32>,
    %get3A_769 = vector.shape_cast %get3A_768 : vector<16xf32> to vector<16xf32>
    %sub3A_770 = arith.subf %get3A_766, %get3A_769 : vector<16xf32>
    %get3A_771 = arith.constant 496 : index
    %get3A_772 = tpu.vector_load %arg12[%get3A_771] {strides = array<i32>} : memref<640xf32, #tpu.memory_space<vmem>>, vector<16xf32>,
    %get3A_773 = vector.shape_cast %get3A_772 : vector<16xf32> to vector<16xf32>
    %div3A_774 = arith.divf %sub3A_770, %get3A_773 : vector<16xf32>
    %swap3A_775 = arith.constant 496 : index
    %swap3A_776 = tpu.vector_load %arg11[%swap3A_775] {strides = array<i32>} : memref<640xf32, #tpu.memory_space<vmem>>, vector<16xf32>,
    %swap3A_777 = vector.shape_cast %swap3A_776 : vector<16xf32> to vector<16xf32>
    %swap3A_778 = vector.shape_cast %div3A_774 : vector<16xf32> to vector<16xf32>
    tpu.vector_store %arg11[%swap3A_775], %swap3A_778 {strides = array<i32>} : memref<640xf32, #tpu.memory_space<vmem>>, vector<16xf32>,
    %get3A_779 = arith.constant 512 : index
    %get3A_780 = tpu.vector_load %arg13[%get3A_779] {strides = array<i32>} : memref<640xf32, #tpu.memory_space<vmem>>, vector<16xf32>,
    %get3A_781 = vector.shape_cast %get3A_780 : vector<16xf32> to vector<16xf32>
    %get3A_782 = arith.constant 512 : index
    %get3A_783 = tpu.vector_load %arg11[%get3A_782] {strides = array<i32>} : memref<640xf32, #tpu.memory_space<vmem>>, vector<16xf32>,
    %get3A_784 = vector.shape_cast %get3A_783 : vector<16xf32> to vector<16xf32>
    %sub3A_785 = arith.subf %get3A_781, %get3A_784 : vector<16xf32>
    %get3A_786 = arith.constant 512 : index
    %get3A_787 = tpu.vector_load %arg12[%get3A_786] {strides = array<i32>} : memref<640xf32, #tpu.memory_space<vmem>>, vector<16xf32>,
    %get3A_788 = vector.shape_cast %get3A_787 : vector<16xf32> to vector<16xf32>
    %div3A_789 = arith.divf %sub3A_785, %get3A_788 : vector<16xf32>
    %swap3A_790 = arith.constant 512 : index
    %swap3A_791 = tpu.vector_load %arg11[%swap3A_790] {strides = array<i32>} : memref<640xf32, #tpu.memory_space<vmem>>, vector<16xf32>,
    %swap3A_792 = vector.shape_cast %swap3A_791 : vector<16xf32> to vector<16xf32>
    %swap3A_793 = vector.shape_cast %div3A_789 : vector<16xf32> to vector<16xf32>
    tpu.vector_store %arg11[%swap3A_790], %swap3A_793 {strides = array<i32>} : memref<640xf32, #tpu.memory_space<vmem>>, vector<16xf32>,
    %get3A_794 = arith.constant 528 : index
    %get3A_795 = tpu.vector_load %arg13[%get3A_794] {strides = array<i32>} : memref<640xf32, #tpu.memory_space<vmem>>, vector<16xf32>,
    %get3A_796 = vector.shape_cast %get3A_795 : vector<16xf32> to vector<16xf32>
    %get3A_797 = arith.constant 528 : index
    %get3A_798 = tpu.vector_load %arg11[%get3A_797] {strides = array<i32>} : memref<640xf32, #tpu.memory_space<vmem>>, vector<16xf32>,
    %get3A_799 = vector.shape_cast %get3A_798 : vector<16xf32> to vector<16xf32>
    %sub3A_800 = arith.subf %get3A_796, %get3A_799 : vector<16xf32>
    %get3A_801 = arith.constant 528 : index
    %get3A_802 = tpu.vector_load %arg12[%get3A_801] {strides = array<i32>} : memref<640xf32, #tpu.memory_space<vmem>>, vector<16xf32>,
    %get3A_803 = vector.shape_cast %get3A_802 : vector<16xf32> to vector<16xf32>
    %div3A_804 = arith.divf %sub3A_800, %get3A_803 : vector<16xf32>
    %swap3A_805 = arith.constant 528 : index
    %swap3A_806 = tpu.vector_load %arg11[%swap3A_805] {strides = array<i32>} : memref<640xf32, #tpu.memory_space<vmem>>, vector<16xf32>,
    %swap3A_807 = vector.shape_cast %swap3A_806 : vector<16xf32> to vector<16xf32>
    %swap3A_808 = vector.shape_cast %div3A_804 : vector<16xf32> to vector<16xf32>
    tpu.vector_store %arg11[%swap3A_805], %swap3A_808 {strides = array<i32>} : memref<640xf32, #tpu.memory_space<vmem>>, vector<16xf32>,
    %get3A_809 = arith.constant 544 : index
    %get3A_810 = tpu.vector_load %arg13[%get3A_809] {strides = array<i32>} : memref<640xf32, #tpu.memory_space<vmem>>, vector<16xf32>,
    %get3A_811 = vector.shape_cast %get3A_810 : vector<16xf32> to vector<16xf32>
    %get3A_812 = arith.constant 544 : index
    %get3A_813 = tpu.vector_load %arg11[%get3A_812] {strides = array<i32>} : memref<640xf32, #tpu.memory_space<vmem>>, vector<16xf32>,
    %get3A_814 = vector.shape_cast %get3A_813 : vector<16xf32> to vector<16xf32>
    %sub3A_815 = arith.subf %get3A_811, %get3A_814 : vector<16xf32>
    %get3A_816 = arith.constant 544 : index
    %get3A_817 = tpu.vector_load %arg12[%get3A_816] {strides = array<i32>} : memref<640xf32, #tpu.memory_space<vmem>>, vector<16xf32>,
    %get3A_818 = vector.shape_cast %get3A_817 : vector<16xf32> to vector<16xf32>
    %div3A_819 = arith.divf %sub3A_815, %get3A_818 : vector<16xf32>
    %swap3A_820 = arith.constant 544 : index
    %swap3A_821 = tpu.vector_load %arg11[%swap3A_820] {strides = array<i32>} : memref<640xf32, #tpu.memory_space<vmem>>, vector<16xf32>,
    %swap3A_822 = vector.shape_cast %swap3A_821 : vector<16xf32> to vector<16xf32>
    %swap3A_823 = vector.shape_cast %div3A_819 : vector<16xf32> to vector<16xf32>
    tpu.vector_store %arg11[%swap3A_820], %swap3A_823 {strides = array<i32>} : memref<640xf32, #tpu.memory_space<vmem>>, vector<16xf32>,
    %get3A_824 = arith.constant 560 : index
    %get3A_825 = tpu.vector_load %arg13[%get3A_824] {strides = array<i32>} : memref<640xf32, #tpu.memory_space<vmem>>, vector<16xf32>,
    %get3A_826 = vector.shape_cast %get3A_825 : vector<16xf32> to vector<16xf32>
    %get3A_827 = arith.constant 560 : index
    %get3A_828 = tpu.vector_load %arg11[%get3A_827] {strides = array<i32>} : memref<640xf32, #tpu.memory_space<vmem>>, vector<16xf32>,
    %get3A_829 = vector.shape_cast %get3A_828 : vector<16xf32> to vector<16xf32>
    %sub3A_830 = arith.subf %get3A_826, %get3A_829 : vector<16xf32>
    %get3A_831 = arith.constant 560 : index
    %get3A_832 = tpu.vector_load %arg12[%get3A_831] {strides = array<i32>} : memref<640xf32, #tpu.memory_space<vmem>>, vector<16xf32>,
    %get3A_833 = vector.shape_cast %get3A_832 : vector<16xf32> to vector<16xf32>
    %div3A_834 = arith.divf %sub3A_830, %get3A_833 : vector<16xf32>
    %swap3A_835 = arith.constant 560 : index
    %swap3A_836 = tpu.vector_load %arg11[%swap3A_835] {strides = array<i32>} : memref<640xf32, #tpu.memory_space<vmem>>, vector<16xf32>,
    %swap3A_837 = vector.shape_cast %swap3A_836 : vector<16xf32> to vector<16xf32>
    %swap3A_838 = vector.shape_cast %div3A_834 : vector<16xf32> to vector<16xf32>
    tpu.vector_store %arg11[%swap3A_835], %swap3A_838 {strides = array<i32>} : memref<640xf32, #tpu.memory_space<vmem>>, vector<16xf32>,
    %get3A_839 = arith.constant 576 : index
    %get3A_840 = tpu.vector_load %arg13[%get3A_839] {strides = array<i32>} : memref<640xf32, #tpu.memory_space<vmem>>, vector<16xf32>,
    %get3A_841 = vector.shape_cast %get3A_840 : vector<16xf32> to vector<16xf32>
    %get3A_842 = arith.constant 576 : index
    %get3A_843 = tpu.vector_load %arg11[%get3A_842] {strides = array<i32>} : memref<640xf32, #tpu.memory_space<vmem>>, vector<16xf32>,
    %get3A_844 = vector.shape_cast %get3A_843 : vector<16xf32> to vector<16xf32>
    %sub3A_845 = arith.subf %get3A_841, %get3A_844 : vector<16xf32>
    %get3A_846 = arith.constant 576 : index
    %get3A_847 = tpu.vector_load %arg12[%get3A_846] {strides = array<i32>} : memref<640xf32, #tpu.memory_space<vmem>>, vector<16xf32>,
    %get3A_848 = vector.shape_cast %get3A_847 : vector<16xf32> to vector<16xf32>
    %div3A_849 = arith.divf %sub3A_845, %get3A_848 : vector<16xf32>
    %swap3A_850 = arith.constant 576 : index
    %swap3A_851 = tpu.vector_load %arg11[%swap3A_850] {strides = array<i32>} : memref<640xf32, #tpu.memory_space<vmem>>, vector<16xf32>,
    %swap3A_852 = vector.shape_cast %swap3A_851 : vector<16xf32> to vector<16xf32>
    %swap3A_853 = vector.shape_cast %div3A_849 : vector<16xf32> to vector<16xf32>
    tpu.vector_store %arg11[%swap3A_850], %swap3A_853 {strides = array<i32>} : memref<640xf32, #tpu.memory_space<vmem>>, vector<16xf32>,
    %get3A_854 = arith.constant 592 : index
    %get3A_855 = tpu.vector_load %arg13[%get3A_854] {strides = array<i32>} : memref<640xf32, #tpu.memory_space<vmem>>, vector<16xf32>,
    %get3A_856 = vector.shape_cast %get3A_855 : vector<16xf32> to vector<16xf32>
    %get3A_857 = arith.constant 592 : index
    %get3A_858 = tpu.vector_load %arg11[%get3A_857] {strides = array<i32>} : memref<640xf32, #tpu.memory_space<vmem>>, vector<16xf32>,
    %get3A_859 = vector.shape_cast %get3A_858 : vector<16xf32> to vector<16xf32>
    %sub3A_860 = arith.subf %get3A_856, %get3A_859 : vector<16xf32>
    %get3A_861 = arith.constant 592 : index
    %get3A_862 = tpu.vector_load %arg12[%get3A_861] {strides = array<i32>} : memref<640xf32, #tpu.memory_space<vmem>>, vector<16xf32>,
    %get3A_863 = vector.shape_cast %get3A_862 : vector<16xf32> to vector<16xf32>
    %div3A_864 = arith.divf %sub3A_860, %get3A_863 : vector<16xf32>
    %swap3A_865 = arith.constant 592 : index
    %swap3A_866 = tpu.vector_load %arg11[%swap3A_865] {strides = array<i32>} : memref<640xf32, #tpu.memory_space<vmem>>, vector<16xf32>,
    %swap3A_867 = vector.shape_cast %swap3A_866 : vector<16xf32> to vector<16xf32>
    %swap3A_868 = vector.shape_cast %div3A_864 : vector<16xf32> to vector<16xf32>
    tpu.vector_store %arg11[%swap3A_865], %swap3A_868 {strides = array<i32>} : memref<640xf32, #tpu.memory_space<vmem>>, vector<16xf32>,
    %get3A_869 = arith.constant 608 : index
    %get3A_870 = tpu.vector_load %arg13[%get3A_869] {strides = array<i32>} : memref<640xf32, #tpu.memory_space<vmem>>, vector<16xf32>,
    %get3A_871 = vector.shape_cast %get3A_870 : vector<16xf32> to vector<16xf32>
    %get3A_872 = arith.constant 608 : index
    %get3A_873 = tpu.vector_load %arg11[%get3A_872] {strides = array<i32>} : memref<640xf32, #tpu.memory_space<vmem>>, vector<16xf32>,
    %get3A_874 = vector.shape_cast %get3A_873 : vector<16xf32> to vector<16xf32>
    %sub3A_875 = arith.subf %get3A_871, %get3A_874 : vector<16xf32>
    %get3A_876 = arith.constant 608 : index
    %get3A_877 = tpu.vector_load %arg12[%get3A_876] {strides = array<i32>} : memref<640xf32, #tpu.memory_space<vmem>>, vector<16xf32>,
    %get3A_878 = vector.shape_cast %get3A_877 : vector<16xf32> to vector<16xf32>
    %div3A_879 = arith.divf %sub3A_875, %get3A_878 : vector<16xf32>
    %swap3A_880 = arith.constant 608 : index
    %swap3A_881 = tpu.vector_load %arg11[%swap3A_880] {strides = array<i32>} : memref<640xf32, #tpu.memory_space<vmem>>, vector<16xf32>,
    %swap3A_882 = vector.shape_cast %swap3A_881 : vector<16xf32> to vector<16xf32>
    %swap3A_883 = vector.shape_cast %div3A_879 : vector<16xf32> to vector<16xf32>
    tpu.vector_store %arg11[%swap3A_880], %swap3A_883 {strides = array<i32>} : memref<640xf32, #tpu.memory_space<vmem>>, vector<16xf32>,
    %get3A_884 = arith.constant 624 : index
    %get3A_885 = tpu.vector_load %arg13[%get3A_884] {strides = array<i32>} : memref<640xf32, #tpu.memory_space<vmem>>, vector<16xf32>,
    %get3A_886 = vector.shape_cast %get3A_885 : vector<16xf32> to vector<16xf32>
    %get3A_887 = arith.constant 624 : index
    %get3A_888 = tpu.vector_load %arg11[%get3A_887] {strides = array<i32>} : memref<640xf32, #tpu.memory_space<vmem>>, vector<16xf32>,
    %get3A_889 = vector.shape_cast %get3A_888 : vector<16xf32> to vector<16xf32>
    %sub3A_890 = arith.subf %get3A_886, %get3A_889 : vector<16xf32>
    %get3A_891 = arith.constant 624 : index
    %get3A_892 = tpu.vector_load %arg12[%get3A_891] {strides = array<i32>} : memref<640xf32, #tpu.memory_space<vmem>>, vector<16xf32>,
    %get3A_893 = vector.shape_cast %get3A_892 : vector<16xf32> to vector<16xf32>
    %div3A_894 = arith.divf %sub3A_890, %get3A_893 : vector<16xf32>
    %swap3A_895 = arith.constant 624 : index
    %swap3A_896 = tpu.vector_load %arg11[%swap3A_895] {strides = array<i32>} : memref<640xf32, #tpu.memory_space<vmem>>, vector<16xf32>,
    %swap3A_897 = vector.shape_cast %swap3A_896 : vector<16xf32> to vector<16xf32>
    %swap3A_898 = vector.shape_cast %div3A_894 : vector<16xf32> to vector<16xf32>
    tpu.vector_store %arg11[%swap3A_895], %swap3A_898 {strides = array<i32>} : memref<640xf32, #tpu.memory_space<vmem>>, vector<16xf32>,
    "tpu.region"() ({
      %run_scoped3A = tpu.sem_alloc : memref<!tpu.dma_semaphore, #tpu.memory_space<semaphore_mem>>
      %dma_start3A = tpu.memref_slice %arg16[%mul3A_2] : memref<10240xf32, #tpu.memory_space<vmem_shared>> -> memref<640xf32, #tpu.memory_space<vmem_shared>>
      %dma_start3A_910 = tpu.memref_slice %arg16[%mul3A_2] : memref<10240xf32, #tpu.memory_space<vmem_shared>> -> memref<640xf32, #tpu.memory_space<vmem_shared>>
      tpu.enqueue_dma source(%arg11 : memref<640xf32, #tpu.memory_space<vmem>>) target(%dma_start3A_910 : memref<640xf32, #tpu.memory_space<vmem_shared>>) target_semaphore(%run_scoped3A : memref<!tpu.dma_semaphore, #tpu.memory_space<semaphore_mem>>)
      %dma_wait3A_911 = tpu.memref_slice %arg16[%mul3A_2] : memref<10240xf32, #tpu.memory_space<vmem_shared>> -> memref<640xf32, #tpu.memory_space<vmem_shared>>
      %dma_wait3A_912 = tpu.memref_slice %arg16[%mul3A_2] : memref<10240xf32, #tpu.memory_space<vmem_shared>> -> memref<640xf32, #tpu.memory_space<vmem_shared>>
      tpu.wait_dma2 semaphore(%run_scoped3A : memref<!tpu.dma_semaphore, #tpu.memory_space<semaphore_mem>>) src(%arg11 : memref<640xf32, #tpu.memory_space<vmem>>) dst(%dma_wait3A_912 : memref<640xf32, #tpu.memory_space<vmem_shared>>)
      tpu.yield
    }) : () -> ()
    %barrier3A_899 = arith.constant 0 : index
    tpu.barrier barrier_id(%barrier3A_899)
    %scan3A_900 = arith.constant 0 : i32
    %scan3A_901 = arith.constant 0 : i32
    %scan3A_902 = arith.constant 160 : i32
    %scan3A_903 = arith.addi %scan3A_901, %scan3A_902 : i32
    %scan3A_904 = arith.constant 1 : i32
    scf.for %scan3A_910 = %scan3A_901 to %scan3A_903 step %scan3A_904  : i32 {
      %dma_start3A = arith.constant 0 : i32
      %dma_start3A_911 = tpu.memref_slice %arg8[%scan3A_910, %dma_start3A] : memref<160x128xf32, #tpu.memory_space<vmem>> -> memref<1x128xf32, #tpu.memory_space<vmem>>
      %dma_start3A_912 = tpu.memref_squeeze %dma_start3A_911 : memref<1x128xf32, #tpu.memory_space<vmem>> -> memref<128xf32, #tpu.memory_space<vmem>>
      %dma_start3A_913 = arith.constant 0 : i32
      %dma_start3A_914 = tpu.memref_slice %arg6[%scan3A_910, %dma_start3A_913] : memref<160x128xi32, #tpu.memory_space<vmem>> -> memref<1x128xi32, #tpu.memory_space<vmem>>
      %dma_start3A_915 = tpu.memref_squeeze %dma_start3A_914 : memref<1x128xi32, #tpu.memory_space<vmem>> -> memref<128xi32, #tpu.memory_space<vmem>>
      %dma_start3A_916 = arith.constant 0 : i32
      %dma_start3A_917 = tpu.memref_slice %arg16[%dma_start3A_916] : memref<10240xf32, #tpu.memory_space<vmem_shared>> -> memref<10240xf32, #tpu.memory_space<vmem_shared>>
      tpu.enqueue_indirect_dma source(%dma_start3A_917 : memref<10240xf32, #tpu.memory_space<vmem_shared>>) target(%dma_start3A_912 : memref<128xf32, #tpu.memory_space<vmem>>) offsets(%dma_start3A_915 : memref<128xi32, #tpu.memory_space<vmem>>) semaphore(%arg17 : memref<!tpu.dma_semaphore, #tpu.memory_space<semaphore_mem>>)
    }
    %scan3A_905 = arith.constant 160 : i32
    %dma_wait3A_906 = arith.constant 0 : i32
    %dma_wait3A_907 = tpu.memref_slice %arg4[%mul3A_0, %dma_wait3A_906] : memref<2560x128xf32, #tpu.memory_space<hbm>> -> memref<160x128xf32, #tpu.memory_space<hbm>>
    %dma_wait3A_908 = arith.constant 0 : i32
    %dma_wait3A_909 = tpu.memref_slice %arg4[%mul3A_0, %dma_wait3A_908] : memref<2560x128xf32, #tpu.memory_space<hbm>> -> memref<160x128xf32, #tpu.memory_space<hbm>>
    tpu.wait_dma2 semaphore(%arg17 : memref<!tpu.dma_semaphore, #tpu.memory_space<semaphore_mem>>) src(%dma_wait3A_909 : memref<160x128xf32, #tpu.memory_space<hbm>>) dst(%arg8 : memref<160x128xf32, #tpu.memory_space<vmem>>)
    "tpu.region"() ({
      %run_scoped3A = tpu.sem_alloc : memref<!tpu.dma_semaphore, #tpu.memory_space<semaphore_mem>>
      %dma_start3A = arith.constant 0 : i32
      %dma_start3A_910 = tpu.memref_slice %arg5[%mul3A_0, %dma_start3A] : memref<2560x128xf32, #tpu.memory_space<hbm>> -> memref<160x128xf32, #tpu.memory_space<hbm>>
      %dma_start3A_911 = arith.constant 0 : i32
      %dma_start3A_912 = tpu.memref_slice %arg5[%mul3A_0, %dma_start3A_911] : memref<2560x128xf32, #tpu.memory_space<hbm>> -> memref<160x128xf32, #tpu.memory_space<hbm>>
      tpu.enqueue_dma source(%arg8 : memref<160x128xf32, #tpu.memory_space<vmem>>) target(%dma_start3A_912 : memref<160x128xf32, #tpu.memory_space<hbm>>) target_semaphore(%run_scoped3A : memref<!tpu.dma_semaphore, #tpu.memory_space<semaphore_mem>>)
      %dma_wait3A_913 = arith.constant 0 : i32
      %dma_wait3A_914 = tpu.memref_slice %arg5[%mul3A_0, %dma_wait3A_913] : memref<2560x128xf32, #tpu.memory_space<hbm>> -> memref<160x128xf32, #tpu.memory_space<hbm>>
      %dma_wait3A_915 = arith.constant 0 : i32
      %dma_wait3A_916 = tpu.memref_slice %arg5[%mul3A_0, %dma_wait3A_915] : memref<2560x128xf32, #tpu.memory_space<hbm>> -> memref<160x128xf32, #tpu.memory_space<hbm>>
      tpu.wait_dma2 semaphore(%run_scoped3A : memref<!tpu.dma_semaphore, #tpu.memory_space<semaphore_mem>>) src(%arg8 : memref<160x128xf32, #tpu.memory_space<vmem>>) dst(%dma_wait3A_916 : memref<160x128xf32, #tpu.memory_space<hbm>>)
      tpu.yield
    }) : () -> ()
    return
  }
}

#map = affine_map<(d0, d1) -> (0)>
#map1 = affine_map<(d0, d1) -> (0, 0)>
module attributes {stable_mosaic.version = 14 : i64} {
  func.func @sc_gather(%arg0: i32, %arg1: i32, %arg2: memref<10240xf32, #tpu.memory_space<hbm>>, %arg3: memref<2560x128xi32, #tpu.memory_space<hbm>>, %arg4: memref<2560x128xf32, #tpu.memory_space<hbm>>, %arg5: memref<160x128xi32, #tpu.memory_space<vmem>>, %arg6: memref<160x128xf32, #tpu.memory_space<vmem>>, %arg7: memref<!tpu.dma_semaphore, #tpu.memory_space<semaphore_mem>>) attributes {dimension_semantics = [#tpu.dimension_semantics<core_parallel>, #tpu.dimension_semantics<subcore_parallel>], iteration_bounds = array<i64: 1, 16>, scalar_prefetch = 0 : i64, scratch_operands = 3 : i64, tpu.core_type = #tpu.core_type<sc_vector_subcore>, window_params = [{transform_indices = #map}, {transform_indices = #map1}, {transform_indices = #map1}]} {
    %mul3A = arith.constant 160 : i32
    %mul3A_0 = arith.muli %arg1, %mul3A : i32
    "tpu.region"() ({
      %run_scoped3A = tpu.sem_alloc : memref<!tpu.dma_semaphore, #tpu.memory_space<semaphore_mem>>
      %dma_start3A = arith.constant 0 : i32
      %dma_start3A_9 = tpu.memref_slice %arg3[%mul3A_0, %dma_start3A] : memref<2560x128xi32, #tpu.memory_space<hbm>> -> memref<160x128xi32, #tpu.memory_space<hbm>>
      %dma_start3A_10 = arith.constant 0 : i32
      %dma_start3A_11 = tpu.memref_slice %arg3[%mul3A_0, %dma_start3A_10] : memref<2560x128xi32, #tpu.memory_space<hbm>> -> memref<160x128xi32, #tpu.memory_space<hbm>>
      tpu.enqueue_dma source(%dma_start3A_11 : memref<160x128xi32, #tpu.memory_space<hbm>>) target(%arg5 : memref<160x128xi32, #tpu.memory_space<vmem>>) target_semaphore(%run_scoped3A : memref<!tpu.dma_semaphore, #tpu.memory_space<semaphore_mem>>)
      %dma_wait3A_12 = arith.constant 0 : i32
      %dma_wait3A_13 = tpu.memref_slice %arg3[%mul3A_0, %dma_wait3A_12] : memref<2560x128xi32, #tpu.memory_space<hbm>> -> memref<160x128xi32, #tpu.memory_space<hbm>>
      %dma_wait3A_14 = arith.constant 0 : i32
      %dma_wait3A_15 = tpu.memref_slice %arg3[%mul3A_0, %dma_wait3A_14] : memref<2560x128xi32, #tpu.memory_space<hbm>> -> memref<160x128xi32, #tpu.memory_space<hbm>>
      tpu.wait_dma2 semaphore(%run_scoped3A : memref<!tpu.dma_semaphore, #tpu.memory_space<semaphore_mem>>) src(%dma_wait3A_15 : memref<160x128xi32, #tpu.memory_space<hbm>>) dst(%arg5 : memref<160x128xi32, #tpu.memory_space<vmem>>)
      tpu.yield
    }) : () -> ()
    %scan3A = arith.constant 0 : i32
    %scan3A_1 = arith.constant 0 : i32
    %scan3A_2 = arith.constant 160 : i32
    %scan3A_3 = arith.addi %scan3A_1, %scan3A_2 : i32
    %scan3A_4 = arith.constant 1 : i32
    scf.for %scan3A_9 = %scan3A_1 to %scan3A_3 step %scan3A_4  : i32 {
      %dma_start3A = arith.constant 0 : i32
      %dma_start3A_10 = tpu.memref_slice %arg6[%scan3A_9, %dma_start3A] : memref<160x128xf32, #tpu.memory_space<vmem>> -> memref<1x128xf32, #tpu.memory_space<vmem>>
      %dma_start3A_11 = tpu.memref_squeeze %dma_start3A_10 : memref<1x128xf32, #tpu.memory_space<vmem>> -> memref<128xf32, #tpu.memory_space<vmem>>
      %dma_start3A_12 = arith.constant 0 : i32
      %dma_start3A_13 = tpu.memref_slice %arg5[%scan3A_9, %dma_start3A_12] : memref<160x128xi32, #tpu.memory_space<vmem>> -> memref<1x128xi32, #tpu.memory_space<vmem>>
      %dma_start3A_14 = tpu.memref_squeeze %dma_start3A_13 : memref<1x128xi32, #tpu.memory_space<vmem>> -> memref<128xi32, #tpu.memory_space<vmem>>
      %dma_start3A_15 = arith.constant 0 : i32
      %dma_start3A_16 = tpu.memref_slice %arg2[%dma_start3A_15] : memref<10240xf32, #tpu.memory_space<hbm>> -> memref<10240xf32, #tpu.memory_space<hbm>>
      tpu.enqueue_indirect_dma source(%dma_start3A_16 : memref<10240xf32, #tpu.memory_space<hbm>>) target(%dma_start3A_11 : memref<128xf32, #tpu.memory_space<vmem>>) offsets(%dma_start3A_14 : memref<128xi32, #tpu.memory_space<vmem>>) semaphore(%arg7 : memref<!tpu.dma_semaphore, #tpu.memory_space<semaphore_mem>>)
    }
    %scan3A_5 = arith.constant 160 : i32
    %dma_wait3A = arith.constant 0 : i32
    %dma_wait3A_6 = tpu.memref_slice %arg4[%mul3A_0, %dma_wait3A] : memref<2560x128xf32, #tpu.memory_space<hbm>> -> memref<160x128xf32, #tpu.memory_space<hbm>>
    %dma_wait3A_7 = arith.constant 0 : i32
    %dma_wait3A_8 = tpu.memref_slice %arg4[%mul3A_0, %dma_wait3A_7] : memref<2560x128xf32, #tpu.memory_space<hbm>> -> memref<160x128xf32, #tpu.memory_space<hbm>>
    tpu.wait_dma2 semaphore(%arg7 : memref<!tpu.dma_semaphore, #tpu.memory_space<semaphore_mem>>) src(%dma_wait3A_8 : memref<160x128xf32, #tpu.memory_space<hbm>>) dst(%arg6 : memref<160x128xf32, #tpu.memory_space<vmem>>)
    "tpu.region"() ({
      %run_scoped3A = tpu.sem_alloc : memref<!tpu.dma_semaphore, #tpu.memory_space<semaphore_mem>>
      %dma_start3A = arith.constant 0 : i32
      %dma_start3A_9 = tpu.memref_slice %arg4[%mul3A_0, %dma_start3A] : memref<2560x128xf32, #tpu.memory_space<hbm>> -> memref<160x128xf32, #tpu.memory_space<hbm>>
      %dma_start3A_10 = arith.constant 0 : i32
      %dma_start3A_11 = tpu.memref_slice %arg4[%mul3A_0, %dma_start3A_10] : memref<2560x128xf32, #tpu.memory_space<hbm>> -> memref<160x128xf32, #tpu.memory_space<hbm>>
      tpu.enqueue_dma source(%arg6 : memref<160x128xf32, #tpu.memory_space<vmem>>) target(%dma_start3A_11 : memref<160x128xf32, #tpu.memory_space<hbm>>) target_semaphore(%run_scoped3A : memref<!tpu.dma_semaphore, #tpu.memory_space<semaphore_mem>>)
      %dma_wait3A_12 = arith.constant 0 : i32
      %dma_wait3A_13 = tpu.memref_slice %arg4[%mul3A_0, %dma_wait3A_12] : memref<2560x128xf32, #tpu.memory_space<hbm>> -> memref<160x128xf32, #tpu.memory_space<hbm>>
      %dma_wait3A_14 = arith.constant 0 : i32
      %dma_wait3A_15 = tpu.memref_slice %arg4[%mul3A_0, %dma_wait3A_14] : memref<2560x128xf32, #tpu.memory_space<hbm>> -> memref<160x128xf32, #tpu.memory_space<hbm>>
      tpu.wait_dma2 semaphore(%run_scoped3A : memref<!tpu.dma_semaphore, #tpu.memory_space<semaphore_mem>>) src(%arg6 : memref<160x128xf32, #tpu.memory_space<vmem>>) dst(%dma_wait3A_15 : memref<160x128xf32, #tpu.memory_space<hbm>>)
      tpu.yield
    }) : () -> ()
    return
  }
}

module attributes {stable_mosaic.version = 14 : i64} {
  func.func @_tc1_body(%arg0: i32, %arg1: memref<2048x128xf32, #tpu.memory_space<vmem>>, %arg2: memref<16x128xf32, #tpu.memory_space<vmem>>, %arg3: memref<128x128xf32, #tpu.memory_space<vmem>>, %arg4: memref<1x128xf32, #tpu.memory_space<vmem>>, %arg5: memref<1x128xf32, #tpu.memory_space<vmem>>, %arg6: memref<1x128xf32, #tpu.memory_space<vmem>>, %arg7: memref<128x128xf32, #tpu.memory_space<vmem>>, %arg8: memref<16x128xf32, #tpu.memory_space<vmem>>, %arg9: memref<2048x128xbf16, #tpu.memory_space<vmem>>) attributes {dimension_semantics = [#tpu.dimension_semantics<arbitrary>], iteration_bounds = array<i64: 157>, scalar_prefetch = 0 : i64, scratch_operands = 0 : i64, tpu.core_type = #tpu.core_type<tc>, window_params = [{transform_indices = @transform_0, window_bounds = array<i64: 2048, 128>}, {transform_indices = @transform_1, window_bounds = array<i64: 16, 128>}, {pipeline_mode = #tpu.pipeline_mode<synchronous>, transform_indices = @transform_2, window_bounds = array<i64: 128, 128>}, {pipeline_mode = #tpu.pipeline_mode<synchronous>, transform_indices = @transform_3, window_bounds = array<i64: 1, 128>}, {pipeline_mode = #tpu.pipeline_mode<synchronous>, transform_indices = @transform_4, window_bounds = array<i64: 1, 128>}, {pipeline_mode = #tpu.pipeline_mode<synchronous>, transform_indices = @transform_5, window_bounds = array<i64: 1, 128>}, {pipeline_mode = #tpu.pipeline_mode<synchronous>, transform_indices = @transform_6, window_bounds = array<i64: 128, 128>}, {transform_indices = @transform_7, window_bounds = array<i64: 16, 128>}, {transform_indices = @transform_8, window_bounds = array<i64: 2048, 128>}]} {
    %get3A = arith.constant 0 : index
    %get3A_0 = arith.constant 0 : index
    %get3A_1 = vector.load %arg1[%get3A, %get3A_0] : memref<2048x128xf32, #tpu.memory_space<vmem>>, vector<2048x128xf32>
    %get3A_2 = arith.constant 0 : index
    %get3A_3 = arith.constant 0 : index
    %get3A_4 = vector.load %arg3[%get3A_2, %get3A_3] : memref<128x128xf32, #tpu.memory_space<vmem>>, vector<128x128xf32>
    %dot_general3A = arith.constant dense<0.000000e+00> : vector<2048x128xf32>
    %dot_general3A_5 = tpu.matmul %get3A_1, %get3A_4, %dot_general3A {dimension_numbers = #tpu.dot_dimension_numbers<[1], [0], [0], [1], [0, 0, 1, 1], [], []>, transpose_lhs_hint = false} : vector<2048x128xf32>, vector<128x128xf32>, vector<2048x128xf32> -> vector<2048x128xf32>
    %get3A_6 = arith.constant 0 : index
    %get3A_7 = arith.constant 0 : index
    %get3A_8 = vector.load %arg4[%get3A_6, %get3A_7] : memref<1x128xf32, #tpu.memory_space<vmem>>, vector<1x128xf32>
    %add3A = vector.broadcast %get3A_8 : vector<1x128xf32> to vector<2048x128xf32>
    %add3A_9 = arith.addf %dot_general3A_5, %add3A : vector<2048x128xf32>
    %reshape3A = vector.shape_cast %add3A_9 : vector<2048x128xf32> to vector<16x128x128xf32>
    %get3A_10 = arith.constant 0 : index
    %get3A_11 = arith.constant 0 : index
    %get3A_12 = vector.load %arg2[%get3A_10, %get3A_11] : memref<16x128xf32, #tpu.memory_space<vmem>>, vector<16x128xf32>
    %get3A_13 = arith.constant 0 : index
    %get3A_14 = arith.constant 0 : index
    %get3A_15 = vector.load %arg7[%get3A_13, %get3A_14] : memref<128x128xf32, #tpu.memory_space<vmem>>, vector<128x128xf32>
    %broadcast_in_dim3A = vector.shape_cast %get3A_12 : vector<16x128xf32> to vector<16x1x128xf32>
    %broadcast_in_dim3A_16 = vector.shape_cast %get3A_15 : vector<128x128xf32> to vector<1x128x128xf32>
    %mul3A = vector.broadcast %broadcast_in_dim3A : vector<16x1x128xf32> to vector<16x128x128xf32>
    %mul3A_17 = vector.broadcast %broadcast_in_dim3A_16 : vector<1x128x128xf32> to vector<16x128x128xf32>
    %mul3A_18 = arith.mulf %mul3A, %mul3A_17 : vector<16x128x128xf32>
    %reduce_sum3A = arith.constant dense<0.000000e+00> : vector<16x128xf32>
    %reduce_sum3A_19 = vector.multi_reduction <add>, %mul3A_18, %reduce_sum3A [2] : vector<16x128x128xf32> to vector<16x128xf32>
    %broadcast_in_dim3A_20 = vector.shape_cast %reduce_sum3A_19 : vector<16x128xf32> to vector<16x128x1xf32>
    %abs3A = math.absf %broadcast_in_dim3A_20 : vector<16x128x1xf32>
    %get3A_21 = arith.constant 0 : index
    %get3A_22 = arith.constant 0 : index
    %get3A_23 = vector.load %arg5[%get3A_21, %get3A_22] : memref<1x128xf32, #tpu.memory_space<vmem>>, vector<1x128xf32>
    %reshape3A_24 = vector.shape_cast %get3A_23 : vector<1x128xf32> to vector<1x1x128xf32>
    %mul3A_25 = vector.broadcast %abs3A : vector<16x128x1xf32> to vector<16x128x128xf32>
    %mul3A_26 = vector.broadcast %reshape3A_24 : vector<1x1x128xf32> to vector<16x128x128xf32>
    %mul3A_27 = arith.mulf %mul3A_25, %mul3A_26 : vector<16x128x128xf32>
    %get3A_28 = arith.constant 0 : index
    %get3A_29 = arith.constant 0 : index
    %get3A_30 = vector.load %arg6[%get3A_28, %get3A_29] : memref<1x128xf32, #tpu.memory_space<vmem>>, vector<1x128xf32>
    %reshape3A_31 = vector.shape_cast %get3A_30 : vector<1x128xf32> to vector<1x1x128xf32>
    %add3A_32 = vector.broadcast %reshape3A_31 : vector<1x1x128xf32> to vector<16x128x128xf32>
    %add3A_33 = arith.addf %mul3A_27, %add3A_32 : vector<16x128x128xf32>
    %mul3A_34 = arith.mulf %add3A_33, %reshape3A : vector<16x128x128xf32>
    %max3A = arith.constant 0.000000e+00 : f32
    %max3A_35 = vector.broadcast %max3A : f32 to vector<16x128x128xf32>
    %max3A_36 = arith.maximumf %mul3A_34, %max3A_35 : vector<16x128x128xf32>
    %abs3A_37 = math.absf %mul3A_34 : vector<16x128x128xf32>
    %neg3A = arith.constant 0.000000e+00 : f32
    %neg3A_38 = vector.broadcast %neg3A : f32 to vector<16x128x128xf32>
    %neg3A_39 = arith.subf %neg3A_38, %abs3A_37 : vector<16x128x128xf32>
    %exp3A = math.exp %neg3A_39 : vector<16x128x128xf32>
    %log1p3A = math.log1p %exp3A : vector<16x128x128xf32>
    %add3A_40 = arith.addf %max3A_36, %log1p3A : vector<16x128x128xf32>
    %reshape3A_41 = vector.shape_cast %add3A_40 : vector<16x128x128xf32> to vector<2048x128xf32>
    %sub3A = arith.constant 0.693147182 : f32
    %sub3A_42 = vector.broadcast %sub3A : f32 to vector<2048x128xf32>
    %sub3A_43 = arith.subf %reshape3A_41, %sub3A_42 : vector<2048x128xf32>
    %convert_element_type3A = arith.truncf %sub3A_43 : vector<2048x128xf32> to vector<2048x128xbf16>
    %swap3A = arith.constant 0 : index
    %swap3A_44 = arith.constant 0 : index
    %swap3A_45 = vector.load %arg9[%swap3A, %swap3A_44] : memref<2048x128xbf16, #tpu.memory_space<vmem>>, vector<2048x128xbf16>
    tpu.vector_store %arg9[%swap3A, %swap3A_44], %convert_element_type3A {strides = array<i32>} : memref<2048x128xbf16, #tpu.memory_space<vmem>>, vector<2048x128xbf16>,
    %reduce_sum3A_46 = arith.constant dense<0.000000e+00> : vector<16x128xf32>
    %reduce_sum3A_47 = vector.multi_reduction <add>, %add3A_40, %reduce_sum3A_46 [2] : vector<16x128x128xf32> to vector<16x128xf32>
    %broadcast_in_dim3A_48 = vector.shape_cast %reduce_sum3A_47 : vector<16x128xf32> to vector<16x128x1xf32>
    %get3A_49 = arith.constant 0 : index
    %get3A_50 = arith.constant 0 : index
    %get3A_51 = vector.load %arg7[%get3A_49, %get3A_50] : memref<128x128xf32, #tpu.memory_space<vmem>>, vector<128x128xf32>
    %broadcast_in_dim3A_52 = vector.shape_cast %get3A_51 : vector<128x128xf32> to vector<1x128x128xf32>
    %mul3A_53 = vector.broadcast %broadcast_in_dim3A_48 : vector<16x128x1xf32> to vector<16x128x128xf32>
    %mul3A_54 = vector.broadcast %broadcast_in_dim3A_52 : vector<1x128x128xf32> to vector<16x128x128xf32>
    %mul3A_55 = arith.mulf %mul3A_53, %mul3A_54 : vector<16x128x128xf32>
    %reduce_sum3A_56 = arith.constant dense<0.000000e+00> : vector<16x128xf32>
    %reduce_sum3A_57 = vector.multi_reduction <add>, %mul3A_55, %reduce_sum3A_56 [1] : vector<16x128x128xf32> to vector<16x128xf32>
    %swap3A_58 = arith.constant 0 : index
    %swap3A_59 = arith.constant 0 : index
    %swap3A_60 = vector.load %arg8[%swap3A_58, %swap3A_59] : memref<16x128xf32, #tpu.memory_space<vmem>>, vector<16x128xf32>
    tpu.vector_store %arg8[%swap3A_58, %swap3A_59], %reduce_sum3A_57 {strides = array<i32>} : memref<16x128xf32, #tpu.memory_space<vmem>>, vector<16x128xf32>,
    return
  }
  func.func @transform_0(%arg0: i32) -> (i32, i32) {
    %c0_i32 = arith.constant 0 : i32
    %c0_i32_0 = arith.constant 0 : i32
    return %arg0, %c0_i32 : i32, i32
  }
  func.func @transform_1(%arg0: i32) -> (i32, i32) {
    %c0_i32 = arith.constant 0 : i32
    %c0_i32_0 = arith.constant 0 : i32
    return %arg0, %c0_i32 : i32, i32
  }
  func.func @transform_2(%arg0: i32) -> (i32, i32) {
    %c0_i32 = arith.constant 0 : i32
    %c0_i32_0 = arith.constant 0 : i32
    %c0_i32_1 = arith.constant 0 : i32
    return %c0_i32, %c0_i32_0 : i32, i32
  }
  func.func @transform_3(%arg0: i32) -> (i32, i32) {
    %c0_i32 = arith.constant 0 : i32
    %c0_i32_0 = arith.constant 0 : i32
    %c0_i32_1 = arith.constant 0 : i32
    return %c0_i32, %c0_i32_0 : i32, i32
  }
  func.func @transform_4(%arg0: i32) -> (i32, i32) {
    %c0_i32 = arith.constant 0 : i32
    %c0_i32_0 = arith.constant 0 : i32
    %c0_i32_1 = arith.constant 0 : i32
    return %c0_i32, %c0_i32_0 : i32, i32
  }
  func.func @transform_5(%arg0: i32) -> (i32, i32) {
    %c0_i32 = arith.constant 0 : i32
    %c0_i32_0 = arith.constant 0 : i32
    %c0_i32_1 = arith.constant 0 : i32
    return %c0_i32, %c0_i32_0 : i32, i32
  }
  func.func @transform_6(%arg0: i32) -> (i32, i32) {
    %c0_i32 = arith.constant 0 : i32
    %c0_i32_0 = arith.constant 0 : i32
    %c0_i32_1 = arith.constant 0 : i32
    return %c0_i32, %c0_i32_0 : i32, i32
  }
  func.func @transform_7(%arg0: i32) -> (i32, i32) {
    %c0_i32 = arith.constant 0 : i32
    %c0_i32_0 = arith.constant 0 : i32
    return %arg0, %c0_i32 : i32, i32
  }
  func.func @transform_8(%arg0: i32) -> (i32, i32) {
    %c0_i32 = arith.constant 0 : i32
    %c0_i32_0 = arith.constant 0 : i32
    return %arg0, %c0_i32 : i32, i32
  }
}

module attributes {stable_mosaic.version = 14 : i64} {
  func.func @_tc2_body(%arg0: i32, %arg1: memref<2048x128xbf16, #tpu.memory_space<vmem>>, %arg2: memref<16x128xf32, #tpu.memory_space<vmem>>, %arg3: memref<128x128xf32, #tpu.memory_space<vmem>>, %arg4: memref<1x128xf32, #tpu.memory_space<vmem>>, %arg5: memref<128x128xf32, #tpu.memory_space<vmem>>, %arg6: memref<1x128xf32, #tpu.memory_space<vmem>>, %arg7: memref<128x128xf32, #tpu.memory_space<vmem>>, %arg8: memref<2048x128xf32, #tpu.memory_space<vmem>>) attributes {dimension_semantics = [#tpu.dimension_semantics<arbitrary>], iteration_bounds = array<i64: 157>, scalar_prefetch = 0 : i64, scratch_operands = 0 : i64, tpu.core_type = #tpu.core_type<tc>, window_params = [{transform_indices = @transform_0, window_bounds = array<i64: 2048, 128>}, {transform_indices = @transform_1, window_bounds = array<i64: 16, 128>}, {pipeline_mode = #tpu.pipeline_mode<synchronous>, transform_indices = @transform_2, window_bounds = array<i64: 128, 128>}, {pipeline_mode = #tpu.pipeline_mode<synchronous>, transform_indices = @transform_3, window_bounds = array<i64: 1, 128>}, {pipeline_mode = #tpu.pipeline_mode<synchronous>, transform_indices = @transform_4, window_bounds = array<i64: 128, 128>}, {pipeline_mode = #tpu.pipeline_mode<synchronous>, transform_indices = @transform_5, window_bounds = array<i64: 1, 128>}, {pipeline_mode = #tpu.pipeline_mode<synchronous>, transform_indices = @transform_6, window_bounds = array<i64: 128, 128>}, {transform_indices = @transform_7, window_bounds = array<i64: 2048, 128>}]} {
    %get3A = arith.constant 0 : index
    %get3A_0 = arith.constant 0 : index
    %get3A_1 = vector.load %arg2[%get3A, %get3A_0] : memref<16x128xf32, #tpu.memory_space<vmem>>, vector<16x128xf32>
    %get3A_2 = arith.constant 0 : index
    %get3A_3 = arith.constant 0 : index
    %get3A_4 = vector.load %arg7[%get3A_2, %get3A_3] : memref<128x128xf32, #tpu.memory_space<vmem>>, vector<128x128xf32>
    %broadcast_in_dim3A = vector.shape_cast %get3A_1 : vector<16x128xf32> to vector<16x1x128xf32>
    %broadcast_in_dim3A_5 = vector.shape_cast %get3A_4 : vector<128x128xf32> to vector<1x128x128xf32>
    %mul3A = vector.broadcast %broadcast_in_dim3A : vector<16x1x128xf32> to vector<16x128x128xf32>
    %mul3A_6 = vector.broadcast %broadcast_in_dim3A_5 : vector<1x128x128xf32> to vector<16x128x128xf32>
    %mul3A_7 = arith.mulf %mul3A, %mul3A_6 : vector<16x128x128xf32>
    %reduce_sum3A = arith.constant dense<0.000000e+00> : vector<16x128xf32>
    %reduce_sum3A_8 = vector.multi_reduction <add>, %mul3A_7, %reduce_sum3A [2] : vector<16x128x128xf32> to vector<16x128xf32>
    %broadcast_in_dim3A_9 = vector.shape_cast %reduce_sum3A_8 : vector<16x128xf32> to vector<16x128x1xf32>
    %get3A_10 = arith.constant 0 : index
    %get3A_11 = arith.constant 0 : index
    %get3A_12 = vector.load %arg1[%get3A_10, %get3A_11] : memref<2048x128xbf16, #tpu.memory_space<vmem>>, vector<2048x128xbf16>
    %convert_element_type3A = arith.extf %get3A_12 : vector<2048x128xbf16> to vector<2048x128xf32>
    %add3A = arith.constant 0.693147182 : f32
    %add3A_13 = vector.broadcast %add3A : f32 to vector<2048x128xf32>
    %add3A_14 = arith.addf %convert_element_type3A, %add3A_13 : vector<2048x128xf32>
    %reshape3A = vector.shape_cast %add3A_14 : vector<2048x128xf32> to vector<16x128x128xf32>
    %mul3A_15 = arith.constant 7.812500e-03 : f32
    %mul3A_16 = vector.broadcast %mul3A_15 : f32 to vector<16x128x1xf32>
    %mul3A_17 = arith.mulf %broadcast_in_dim3A_9, %mul3A_16 : vector<16x128x1xf32>
    %add3A_18 = vector.broadcast %mul3A_17 : vector<16x128x1xf32> to vector<16x128x128xf32>
    %add3A_19 = arith.addf %reshape3A, %add3A_18 : vector<16x128x128xf32>
    %reshape3A_20 = vector.shape_cast %add3A_19 : vector<16x128x128xf32> to vector<2048x128xf32>
    %neg3A = arith.constant 0.000000e+00 : f32
    %neg3A_21 = vector.broadcast %neg3A : f32 to vector<2048x128xf32>
    %neg3A_22 = arith.subf %neg3A_21, %reshape3A_20 : vector<2048x128xf32>
    %exp3A = math.exp %neg3A_22 : vector<2048x128xf32>
    %add3A_23 = arith.constant 1.000000e+00 : f32
    %add3A_24 = vector.broadcast %add3A_23 : f32 to vector<2048x128xf32>
    %add3A_25 = arith.addf %add3A_24, %exp3A : vector<2048x128xf32>
    %div3A = arith.divf %reshape3A_20, %add3A_25 : vector<2048x128xf32>
    %get3A_26 = arith.constant 0 : index
    %get3A_27 = arith.constant 0 : index
    %get3A_28 = vector.load %arg3[%get3A_26, %get3A_27] : memref<128x128xf32, #tpu.memory_space<vmem>>, vector<128x128xf32>
    %dot_general3A = arith.constant dense<0.000000e+00> : vector<2048x128xf32>
    %dot_general3A_29 = tpu.matmul %div3A, %get3A_28, %dot_general3A {dimension_numbers = #tpu.dot_dimension_numbers<[1], [0], [0], [1], [0, 0, 1, 1], [], []>, transpose_lhs_hint = false} : vector<2048x128xf32>, vector<128x128xf32>, vector<2048x128xf32> -> vector<2048x128xf32>
    %get3A_30 = arith.constant 0 : index
    %get3A_31 = arith.constant 0 : index
    %get3A_32 = vector.load %arg4[%get3A_30, %get3A_31] : memref<1x128xf32, #tpu.memory_space<vmem>>, vector<1x128xf32>
    %add3A_33 = vector.broadcast %get3A_32 : vector<1x128xf32> to vector<2048x128xf32>
    %add3A_34 = arith.addf %dot_general3A_29, %add3A_33 : vector<2048x128xf32>
    %neg3A_35 = arith.constant 0.000000e+00 : f32
    %neg3A_36 = vector.broadcast %neg3A_35 : f32 to vector<2048x128xf32>
    %neg3A_37 = arith.subf %neg3A_36, %add3A_34 : vector<2048x128xf32>
    %exp3A_38 = math.exp %neg3A_37 : vector<2048x128xf32>
    %add3A_39 = arith.constant 1.000000e+00 : f32
    %add3A_40 = vector.broadcast %add3A_39 : f32 to vector<2048x128xf32>
    %add3A_41 = arith.addf %add3A_40, %exp3A_38 : vector<2048x128xf32>
    %div3A_42 = arith.divf %add3A_34, %add3A_41 : vector<2048x128xf32>
    %get3A_43 = arith.constant 0 : index
    %get3A_44 = arith.constant 0 : index
    %get3A_45 = vector.load %arg5[%get3A_43, %get3A_44] : memref<128x128xf32, #tpu.memory_space<vmem>>, vector<128x128xf32>
    %dot_general3A_46 = arith.constant dense<0.000000e+00> : vector<2048x128xf32>
    %dot_general3A_47 = tpu.matmul %div3A_42, %get3A_45, %dot_general3A_46 {dimension_numbers = #tpu.dot_dimension_numbers<[1], [0], [0], [1], [0, 0, 1, 1], [], []>, transpose_lhs_hint = false} : vector<2048x128xf32>, vector<128x128xf32>, vector<2048x128xf32> -> vector<2048x128xf32>
    %get3A_48 = arith.constant 0 : index
    %get3A_49 = arith.constant 0 : index
    %get3A_50 = vector.load %arg6[%get3A_48, %get3A_49] : memref<1x128xf32, #tpu.memory_space<vmem>>, vector<1x128xf32>
    %add3A_51 = vector.broadcast %get3A_50 : vector<1x128xf32> to vector<2048x128xf32>
    %add3A_52 = arith.addf %dot_general3A_47, %add3A_51 : vector<2048x128xf32>
    %add3A_53 = arith.addf %reshape3A_20, %add3A_52 : vector<2048x128xf32>
    %swap3A = arith.constant 0 : index
    %swap3A_54 = arith.constant 0 : index
    %swap3A_55 = vector.load %arg8[%swap3A, %swap3A_54] : memref<2048x128xf32, #tpu.memory_space<vmem>>, vector<2048x128xf32>
    tpu.vector_store %arg8[%swap3A, %swap3A_54], %add3A_53 {strides = array<i32>} : memref<2048x128xf32, #tpu.memory_space<vmem>>, vector<2048x128xf32>,
    return
  }
  func.func @transform_0(%arg0: i32) -> (i32, i32) {
    %c0_i32 = arith.constant 0 : i32
    %c0_i32_0 = arith.constant 0 : i32
    return %arg0, %c0_i32 : i32, i32
  }
  func.func @transform_1(%arg0: i32) -> (i32, i32) {
    %c0_i32 = arith.constant 0 : i32
    %c0_i32_0 = arith.constant 0 : i32
    return %arg0, %c0_i32 : i32, i32
  }
  func.func @transform_2(%arg0: i32) -> (i32, i32) {
    %c0_i32 = arith.constant 0 : i32
    %c0_i32_0 = arith.constant 0 : i32
    %c0_i32_1 = arith.constant 0 : i32
    return %c0_i32, %c0_i32_0 : i32, i32
  }
  func.func @transform_3(%arg0: i32) -> (i32, i32) {
    %c0_i32 = arith.constant 0 : i32
    %c0_i32_0 = arith.constant 0 : i32
    %c0_i32_1 = arith.constant 0 : i32
    return %c0_i32, %c0_i32_0 : i32, i32
  }
  func.func @transform_4(%arg0: i32) -> (i32, i32) {
    %c0_i32 = arith.constant 0 : i32
    %c0_i32_0 = arith.constant 0 : i32
    %c0_i32_1 = arith.constant 0 : i32
    return %c0_i32, %c0_i32_0 : i32, i32
  }
  func.func @transform_5(%arg0: i32) -> (i32, i32) {
    %c0_i32 = arith.constant 0 : i32
    %c0_i32_0 = arith.constant 0 : i32
    %c0_i32_1 = arith.constant 0 : i32
    return %c0_i32, %c0_i32_0 : i32, i32
  }
  func.func @transform_6(%arg0: i32) -> (i32, i32) {
    %c0_i32 = arith.constant 0 : i32
    %c0_i32_0 = arith.constant 0 : i32
    %c0_i32_1 = arith.constant 0 : i32
    return %c0_i32, %c0_i32_0 : i32, i32
  }
  func.func @transform_7(%arg0: i32) -> (i32, i32) {
    %c0_i32 = arith.constant 0 : i32
    %c0_i32_0 = arith.constant 0 : i32
    return %arg0, %c0_i32 : i32, i32
  }
}

</mosaic_0001>

<sc_bundles>
// kernel: kernel.6.cloned.1.call-start
scs
__scs_entry_jumppad:
0x0: {  	(pc) =	sbr.rel $0x88, $3  }
0x1: {  	(tag) =	ssettag $0x0;
	lr =	simm.s32 $0x1  }
0x2: {  	[smem:$0x3F96] =	sst lr;
	_ =	strace $0xD0000000  }
0x3: {  	_ = 	snop  }
0x4: {  	_ = 	snop  }
0x5: {  	_ = 	snop  }
0x6: {  	_ = 	snop  }
0x7: {  	_ = 	snop  }
__scs_overlays_trampoline_lowered:
0x8: {  	[smem:$0x3FA5] =	sst s0  }
0x9: {  	[smem:$0x3FA6] =	sst s1  }
0xa: {  	[smem:$0x3FA7] =	sst s2  }
0xb: {  	[smem:$0x3FA8] =	sst s3  }
0xc: {  	[smem:$0x3FA9] =	sst s4  }
0xd: {  	[smem:$0x3FAA] =	sst s5  }
0xe: {  	[smem:$0x3FAB] =	sst s6  }
0xf: {  	[smem:$0x3FAC] =	sst s7  }
0x10: {  	[smem:$0x3FAD] =	sst s8  }
0x11: {  	[smem:$0x3FAE] =	sst s9;
	s0 =	simm.s32 @!p0 $0x0  }
0x12: {  	s1 =	sld [smem:$0x3F94];
	s0 =	simm.s32 @p0 $0x1  }
0x13: {  	[smem:$0x3FAF] =	sst s0;
	s0 =	simm.s32 @!p1 $0x0  }
0x14: {  	s2 =	sld [smem:$0x3F93];
	s0 =	simm.s32 @p1 $0x1  }
0x15: {  	[smem:$0x3FB0] =	sst s0;
	s0 =	simm.s32 @!p2 $0x0  }
0x16: {  	s3 =	sld [smem:$0x3FDB];
	s0 =	simm.s32 @p2 $0x1  }
0x17: {  	s4 =	simm.s32 $0x1BF5;
	[smem:$0x3FB2] =	sst s0  }
0x18: {  	s0 =	sld [smem:$0x3F95];
	_ =	swait.ge [sflag:s4], $0x0  }
0x19: {  	s7 =	sld [smem:$0x3F96]  }
0x1a: {  	s8 =	sadd.s32 $0xFFFFE003, lr  }
0x1b: {  	s9 =	sadd.s32 $0xFFFFFEF7, lr;
	s5 =	simm.s32 $0xFFFFFFFF;
	p2 =	slt.u32 s8, $0xFFFFF086  }
0x1c: {  	p1 =	slt.u32 s9, $0xF7A;
	s5 =	simm.s32 @!p2 $0x0  }
0x1d: {  	s5 =	simm.s32 @p1 $0x1;
	p0 =	seq.s32 s7, s2  }
0x1e: {  	s7 =	smul.u32 @!p0 $0xF7A, s2;
	p2 =	seq.s32 @!p0 s5, $0x0  }
0x1f: {  	s9 =	smul.u32 $0xF7A, s1;
	s8 =	simm.s32 @!p0 $0x1BF5;
	p2 =	por !p2, p0  }
0x20: {  	[sflag:s8] =	ssyncset.s32 @!p0 $0xFFFFF086;
	s6 =	sadd.s32 @!p0 s3, s7;
	s7 =	simm.s32 @!p0 $0x108  }
0x21: {  	s3 =	sadd.s32 s3, s9;
	s6 =	sadd.s32 @!p0 $0x88, s6;
	s7 =	simm.s32 @p2 $0x1082  }
0x22: {  	[simem:s7], [sflag:s8] =	dma.local @!p0 [hbm:s6], $0xF7A  }
0x23: {  	s9 =	sor.u32 $0xD0000000, s2;
	s6 =	simm.s32 $0x108;
	_ =	swait.ge @!p0 [sflag:s8], $0x0  }
0x24: {  	s3 =	sadd.s32 $0x88, s3;
	s6 =	simm.s32 @!p1 $0x1082;
	[sflag:s4] =	ssyncset.s32 $0xFFFFF086  }
0x25: {  	[simem:s6], [sflag:s4] =	dma.local [hbm:s3], $0xF7A  }
0x26: {  	[smem:$0x3F96] =	sst s1;
	(tag) =	ssettag s2;
	_ =	strace s9  }
0x27: {  	s1 =	sld [smem:$0x3FA6]  }
0x28: {  	s2 =	sld [smem:$0x3FA7]  }
0x29: {  	s4 =	sld [smem:$0x3FA9]  }
0x2a: {  	p0 =	seq.s32 s5, $0x0;
	s5 =	sld [smem:$0x3FAA]  }
0x2b: {  	s6 =	sld [smem:$0x3FAB]  }
0x2c: {  	s7 =	sld [smem:$0x3FAC]  }
0x2d: {  	s3 =	simm.s32 $0x108;
	s8 =	sld [smem:$0x3FAD]  }
0x2e: {  	s3 =	simm.s32 @!p0 $0x1082;
	s9 =	sld [smem:$0x3FAE]  }
0x2f: {  	lr =	sadd.s32 s0, s3;
	s0 =	sld [smem:$0x3FA5]  }
0x30: {  	s3 =	sld [smem:$0x3FA8]  }
0x31: {  	[smem:$0x3FB1] =	sst s10  }
0x32: {  	s10 =	sld [smem:$0x3FAF];
	_ =	sdelay $0x3  }
0x33: {  	p0 =	seq.s32 s10, $0x1;
	s10 =	sld [smem:$0x3FB1];
	_ =	sdelay $0x3  }
0x34: {  	[smem:$0x3FB1] =	sst s10  }
0x35: {  	s10 =	sld [smem:$0x3FB0];
	_ =	sdelay $0x3  }
0x36: {  	p1 =	seq.s32 s10, $0x1;
	s10 =	sld [smem:$0x3FB1];
	_ =	sdelay $0x3  }
0x37: {  	[smem:$0x3FB1] =	sst s10  }
0x38: {  	s10 =	sld [smem:$0x3FB2]  }
0x39: {  	_ = 	snop;
	(pc) =	sbr.ind lr, $3  }
0x3a: {  	_ = 	snop  }
0x3b: {  	_ = 	snop  }
0x3c: {  	p2 =	seq.s32 s10, $0x1;
	s10 =	sld [smem:$0x3FB1]  }
0x3d: {  	_ =	shalt  }
0x3e: {  	_ =	shalt  }
0x3f: {  	_ =	shalt  }
0x40: {  	_ =	shalt  }
0x41: {  	_ =	shalt  }
0x42: {  	_ =	shalt  }
0x43: {  	_ =	shalt  }
0x44: {  	_ =	shalt  }
0x45: {  	_ =	shalt  }
0x46: {  	_ =	shalt  }
0x47: {  	_ =	shalt  }
0x48: {  	_ =	shalt  }
0x49: {  	_ =	shalt  }
0x4a: {  	_ =	shalt  }
0x4b: {  	_ =	shalt  }
0x4c: {  	_ =	shalt  }
0x4d: {  	_ =	shalt  }
0x4e: {  	_ =	shalt  }
0x4f: {  	_ =	shalt  }
0x50: {  	_ =	shalt  }
0x51: {  	_ =	shalt  }
0x52: {  	_ =	shalt  }
0x53: {  	_ =	shalt  }
0x54: {  	_ =	shalt  }
0x55: {  	_ =	shalt  }
0x56: {  	_ =	shalt  }
0x57: {  	_ =	shalt  }
0x58: {  	_ =	shalt  }
0x59: {  	_ =	shalt  }
0x5a: {  	_ =	shalt  }
0x5b: {  	_ =	shalt  }
0x5c: {  	_ =	shalt  }
0x5d: {  	_ =	shalt  }
0x5e: {  	_ =	shalt  }
0x5f: {  	_ =	shalt  }
0x60: {  	_ =	shalt  }
0x61: {  	_ =	shalt  }
0x62: {  	_ =	shalt  }
0x63: {  	_ =	shalt  }
0x64: {  	_ =	shalt  }
0x65: {  	_ =	shalt  }
0x66: {  	_ =	shalt  }
0x67: {  	_ =	shalt  }
0x68: {  	_ =	shalt  }
0x69: {  	_ =	shalt  }
0x6a: {  	_ =	shalt  }
0x6b: {  	_ =	shalt  }
0x6c: {  	_ =	shalt  }
0x6d: {  	_ =	shalt  }
0x6e: {  	_ =	shalt  }
0x6f: {  	_ =	shalt  }
0x70: {  	_ =	shalt  }
0x71: {  	_ =	shalt  }
0x72: {  	_ =	shalt  }
0x73: {  	_ =	shalt  }
0x74: {  	_ =	shalt  }
0x75: {  	_ =	shalt  }
0x76: {  	_ =	shalt  }
0x77: {  	_ =	shalt  }
0x78: {  	_ =	shalt  }
0x79: {  	_ =	shalt  }
0x7a: {  	_ =	shalt  }
0x7b: {  	_ =	shalt  }
0x7c: {  	_ =	shalt  }
0x7d: {  	_ =	shalt  }
0x7e: {  	_ =	shalt  }
0x7f: {  	_ =	shalt  }
0x80: {  	_ =	shalt  }
0x81: {  	_ =	shalt  }
0x82: {  	_ =	shalt  }
0x83: {  	_ =	shalt  }
0x84: {  	_ =	shalt  }
0x85: {  	_ =	shalt  }
0x86: {  	_ =	shalt  }
0x87: {  	_ =	shalt  }
.Lfunc_end0:
.L_simem_size_0:
called_computation_lowered:
.L_overlay_start_0:
0x88: {  	s0 =	sld [smem:$0x3FD9]  }
0x89: {  	s1 =	sld [smem:$0x3FFE];
	_ =	sdelay $0x3  }
0x8a: {  	s0 =	sadd.s32 s1, s0  }
0x8b: {  	[smem:$0x3FBD] =	sst s0  }
0x8c: {  	_ = 	snop  }
0x8d: {  	s0 =	sld [smem:$0x3FD0];
	(tm) =	ssettm $0x1  }
0x8e: {  	s16 =	sld [smem:$0x3FFB];
	_ =	sdelay $0x3  }
0x8f: {  	_ =	strace s16  }
0x90: {  	s1 =	sld [smem:$0x3FFC];
	_ =	sdelay $0x3  }
0x91: {  	_ =	strace s1  }
0x92: {  	s1 =	sld [smem:$0x3FFD];
	_ =	sdelay $0x3  }
0x93: {  	_ =	strace s1  }
0x94: {  	_ =	strace $0x8FFFFFFF  }
0x95: {  	s17 =	sld [smem:$0x3FDB];
	_ =	sdelay $0x1  }
0x96: {  	s2 =	simm.s32 $_scs_section_size  }
0x97: {  	s3 =	simm.s32 $_size__tile_overlayer_lowered;
	s4 =	simm.s32 $_tile_overlayer_lowered  }
0x98: {  	s20 =	simm.s32 $0x1BFF;
	s19 =	sshll.u32 s4, $0x1;
	s1 =	sadd.s32 s2, s17  }
0x99: {  	s5 =	simm.s32 $0x0;
	s18 =	sshll.u32 s3, $0x1;
	s3 =	sadd.s32 s19, s1  }
0x9a: {  	[timem:s5], [sflag:s20] =	dma.local [hbm:s3], s18  }
0x9b: {  	_ =	swait.ge [sflag:s20], s18  }
0x9c: {  	s2 =	ssub.s32 $0x0, s18;
	[sflag:s20] =	ssyncset.done $0x0  }
0x9d: {  	[sflag:s20] =	ssyncadd.s32 s2;
	_ =	sdelay $0x1  }
0x9e: {  	s21 =	simm.s32 $0x1B8B  }
0x9f: {  	_ =	swait.ge [sflag:s21], $0x1  }
0xa0: {  	[sflag:s21] =	ssyncset.done $0x0  }
0xa1: {  	s23 =	simm.s32 $0x1B8E;
	s22 =	sld [smem:$0x3FFE];
	[sflag:s21] =	ssyncadd.s32 $0xFFFFFFFF  }
0xa2: {  	s24 =	simm.s32 $execute0_lowered;
	[smem:$0x3FD2] =	sst s23  }
0xa3: {  	s3 =	sshll.u32 s24, $0x1;
	_ =	strace $0x80000046;
	[dreg:$0x1] =	wrdreg $0xFFFFFFFF  }
0xa4: {  	s25 =	simm.s32 $_size_execute0_lowered;
	s1 =	sadd.s32 s1, s3;
	[dreg:$0x0] =	wrdreg $0x0  }
0xa5: {  	s3 =	sshll.u32 s25, $0x1;
	[dreg:$0x2] =	wrdreg s1  }
0xa6: {  	[dreg:$0x3] =	wrdreg s3  }
0xa7: {  	[dreg:$0x4] =	wrdreg $0xC0  }
0xa8: {  	_ =	task [dreg:s5], $0x5FFFF  }
0xa9: {  	[dreg:$0x1] =	wrdreg $0xFFFFFFFF  }
0xaa: {  	[dreg:$0x0] =	wrdreg $0x60  }
0xab: {  	[dreg:$0x2] =	wrdreg s22  }
0xac: {  	[dreg:$0x3] =	wrdreg s0  }
0xad: {  	[dreg:$0x4] =	wrdreg $0x9  }
0xae: {  	_ =	task.clear_ibuf [dreg:s5], $0x5FFFF;
	_ =	strace $0x90000046  }
0xaf: {  	s26 =	simm.s32 $0x9;
	_ =	strace $0x80000048  }
0xb0: {  	_ =	swait.ge [sflag:s26], $0x1  }
0xb1: {  	[sflag:s26] =	ssyncadd.s32 $0xFFFFFFFF  }
0xb2: {  	_ =	strace $0x90000048  }
0xb3: {  	_ =	sfence  }
0xb4: {  	s28 =	sld [smem:$0x0];
	_ =	sdelay $0x1  }
0xb5: {  	s29 =	srdreg.scid  }
0xb6: {  	s30 =	sshll.u32 s29, $0xD;
	s31 =	sshrl.u32 s29, $0x2  }
0xb7: {  	s2 =	sand.u32 $0x4000, s30;
	s1 =	sand.u32 $0x1, s29;
	s0 =	sadd.s32 s31, s28  }
0xb8: {  	s1 =	sor.u32 s2, s1;
	s0 =	sshll.u32 s0, $0x11  }
0xb9: {  	s0 =	sor.u32 s0, s1  }
0xba: {  	s0 =	sadd.s32 $0x8F2B, s0  }
0xbb: {  	[sflag:s0] =	ssyncadd.remote.s32 $0x1  }
0xbc: {  	_ =	sfence.sel $0xFFFF  }
0xbd: {  	[dreg:$0x0] =	wrdreg $0xFFFFFFFF;
	(pc) =	sbr.abs _section_cstart, $3  }
0xbe: {  	[dreg:$0x1] =	wrdreg $0xFFFFFFFF  }
0xbf: {  	_ =	task.clear_ibuf [dreg:s5], $0x2FFFF;
	_ =	strace $0x9FFFFFFF  }
0xc0: {  	(tm) =	ssettm $0x7FFFFFFF  }
0xc1: {  	_ =	shalt  }
tec
execute0_lowered:
.L_overlay_start_1:
0x0: {  	(tag) =	ssettag $0x1  }
0x1: {  	s3 =	rddreg [dreg:$0x0]  }
0x2: {  	s4 =	rddreg [dreg:$0x1];
	s1 =	stileid.u32  }
0x3: {  	s0 =	rddreg [dreg:$0x2];
	s5 =	simm.s32 $0x0;
	s2 =	smul.u32 $0xA00, s1  }
0x4: {  	[smem:$0x7FF] =	sst s5  }
0x5: {  	s31 =	simm.s32 $0x2;
	_ =	strace $0x80000047;
	s4 =	sadd.s32 s4, s2  }
0x6: {  	[tilespmem:s5], [sflag:$0x2] =	stream.linear.gather [hbm4b:s4+s5], $0x5000, $0x38;
	[tilespmem:$0xA000] =	vst v63  }
0x7: {  	s6 =	simm.s32 $0x200;
	s7 =	simm.s32 $0x0;
	_ =	swait.ge [sflag:s31], $0x5000  }
0x8: {  	s8 =	simm.s32 $0x5000;
	s4 =	sadd.s32 $0x2200, s3;
	[sflag:s31] =	ssyncset.done $0x0  }
0x9: {  	s3 =	sadd.s32 $0x2800, s3;
	s5 =	simm.s32 $0x80;
	[sflag:s31] =	ssyncadd.s32 $0xFFFFB000  }
.LBB2_1:
0xa: {  	[tilespmem:s8], [sflag:$0x1] =	stream.indirect.gather [hbm4b:s4+s5], $0x1, s7, s5, $0xb8;
	[tilespmem:$0xA000] =	vst v63  }
0xb: {  	s7 =	smov.u32 s6;
	p0 =	sne.s32 s6, $0x13E00  }
.Ltmp0:
0xc: {  	s6 =	sadd.s32 $0x200, s6;
	(pc) =	sbr.rel @p0 .LBB2_1-.Ltmp0, $3  }
0xd: {  	_ =	sdelay $0x1  }
0xe: {  	s7 =	sshra.s32 s7, $0x2  }
0xf: {  	s8 =	sadd.s32 $0x5000, s7  }
0x10: {  	[tilespmem:s8], [sflag:$0x1] =	stream.indirect.gather [hbm4b:s4+s5], $0x1, s7, s5, $0xb8;
	[tilespmem:$0xA000] =	vst v63  }
0x11: {  	s28 =	simm.s32 $0x1  }
0x12: {  	_ =	swait.ge [sflag:s28], $0x5000  }
0x13: {  	s2 =	sadd.s32 s3, s2;
	s29 =	simm.s32 $0x0;
	[sflag:s28] =	ssyncset.done $0x0  }
0x14: {  	s30 =	simm.s32 $0x5000;
	s31 =	simm.s32 $0x2;
	[sflag:s28] =	ssyncadd.s32 $0xFFFFB000  }
0x15: {  	[hbm4b:s2+s29] =	stream.linear.scatter [tilespmem:s30], [sflag:$0x2], $0x5000, $0x38;
	[tilespmem:$0xA000] =	vst v63  }
0x16: {  	_ =	swait.ge [sflag:s31], $0x5000  }
0x17: {  	[sflag:s31] =	ssyncset.done $0x0  }
0x18: {  	[sflag:s31] =	ssyncadd.s32 $0xFFFFB000  }
0x19: {  	_ =	sfence.sel $0x180000  }
0x1a: {  	[bflag:$0x0] =	sbarrier.arrive $0xFFFF  }
0x1b: {  	p0 =	sne.s32 s1, $0x0;
	_ =	strace $0x90000047  }
0x1c: {  	s0 =	sadd.s32 @!p0 $0x100000, s0;
	[bflag:$0x2] =	sbarrier.arrive $0xFFFF  }
0x1d: {  	[sflag:s0] =	ssyncadd.tile.s32 @!p0 $0x1;
	_ =	shalt  }
.Lfunc_end2:
_tile_overlayer_lowered:
.L_overlay_start_2:
0x1e: {  	(tag) =	ssettag $0x2  }
0x1f: {  	s0 =	rddreg [dreg:$0x0];
	s2 =	stileid.u32  }
0x20: {  	s1 =	rddreg [dreg:$0x1];
	p0 =	sne.s32 s2, $0x0  }
0x21: {  	s3 =	rddreg [dreg:$0x2];
	[bflag:$0x3] =	sbarrier.arrive $0xFFFF;
	s2 =	simm.s32 @!p0 $0x1C02  }
0x22: {  	[timem:s3], [sflag:s2] =	dma.local @!p0 [hbm:s0], s1  }
0x23: {  	s0 =	simm.s32 @!p0 $0x2  }
0x24: {  	_ =	swait.ge @!p0 [sflag:s0], s1  }
0x25: {  	s1 =	ssub.s32 @!p0 $0x0, s1;
	[sflag:s0] =	ssyncset.done @!p0 $0x0  }
0x26: {  	[sflag:s0] =	ssyncadd.s32 @!p0 s1  }
0x27: {  	[bflag:$0x3] =	sbarrier.arrive $0xFFFF  }
0x28: {  	_ =	shalt  }

// kernel: kernel.9.cloned.1.call-start
scs
__scs_entry_jumppad:
0x0: {  	(pc) =	sbr.rel $0x88, $3  }
0x1: {  	(tag) =	ssettag $0x0;
	lr =	simm.s32 $0x1  }
0x2: {  	[smem:$0x3F96] =	sst lr;
	_ =	strace $0xD0000000  }
0x3: {  	_ = 	snop  }
0x4: {  	_ = 	snop  }
0x5: {  	_ = 	snop  }
0x6: {  	_ = 	snop  }
0x7: {  	_ = 	snop  }
__scs_overlays_trampoline_lowered:
0x8: {  	[smem:$0x3FA5] =	sst s0  }
0x9: {  	[smem:$0x3FA6] =	sst s1  }
0xa: {  	[smem:$0x3FA7] =	sst s2  }
0xb: {  	[smem:$0x3FA8] =	sst s3  }
0xc: {  	[smem:$0x3FA9] =	sst s4  }
0xd: {  	[smem:$0x3FAA] =	sst s5  }
0xe: {  	[smem:$0x3FAB] =	sst s6  }
0xf: {  	[smem:$0x3FAC] =	sst s7  }
0x10: {  	[smem:$0x3FAD] =	sst s8  }
0x11: {  	[smem:$0x3FAE] =	sst s9;
	s0 =	simm.s32 @!p0 $0x0  }
0x12: {  	s1 =	sld [smem:$0x3F94];
	s0 =	simm.s32 @p0 $0x1  }
0x13: {  	[smem:$0x3FAF] =	sst s0;
	s0 =	simm.s32 @!p1 $0x0  }
0x14: {  	s2 =	sld [smem:$0x3F93];
	s0 =	simm.s32 @p1 $0x1  }
0x15: {  	[smem:$0x3FB0] =	sst s0;
	s0 =	simm.s32 @!p2 $0x0  }
0x16: {  	s3 =	sld [smem:$0x3FDB];
	s0 =	simm.s32 @p2 $0x1  }
0x17: {  	s4 =	simm.s32 $0x1BF5;
	[smem:$0x3FB2] =	sst s0  }
0x18: {  	s0 =	sld [smem:$0x3F95];
	_ =	swait.ge [sflag:s4], $0x0  }
0x19: {  	s7 =	sld [smem:$0x3F96]  }
0x1a: {  	s8 =	sadd.s32 $0xFFFFE003, lr  }
0x1b: {  	s9 =	sadd.s32 $0xFFFFFEF7, lr;
	s5 =	simm.s32 $0xFFFFFFFF;
	p2 =	slt.u32 s8, $0xFFFFF086  }
0x1c: {  	p1 =	slt.u32 s9, $0xF7A;
	s5 =	simm.s32 @!p2 $0x0  }
0x1d: {  	s5 =	simm.s32 @p1 $0x1;
	p0 =	seq.s32 s7, s2  }
0x1e: {  	s7 =	smul.u32 @!p0 $0xF7A, s2;
	p2 =	seq.s32 @!p0 s5, $0x0  }
0x1f: {  	s9 =	smul.u32 $0xF7A, s1;
	s8 =	simm.s32 @!p0 $0x1BF5;
	p2 =	por !p2, p0  }
0x20: {  	[sflag:s8] =	ssyncset.s32 @!p0 $0xFFFFF086;
	s6 =	sadd.s32 @!p0 s3, s7;
	s7 =	simm.s32 @!p0 $0x108  }
0x21: {  	s3 =	sadd.s32 s3, s9;
	s6 =	sadd.s32 @!p0 $0x88, s6;
	s7 =	simm.s32 @p2 $0x1082  }
0x22: {  	[simem:s7], [sflag:s8] =	dma.local @!p0 [hbm:s6], $0xF7A  }
0x23: {  	s9 =	sor.u32 $0xD0000000, s2;
	s6 =	simm.s32 $0x108;
	_ =	swait.ge @!p0 [sflag:s8], $0x0  }
0x24: {  	s3 =	sadd.s32 $0x88, s3;
	s6 =	simm.s32 @!p1 $0x1082;
	[sflag:s4] =	ssyncset.s32 $0xFFFFF086  }
0x25: {  	[simem:s6], [sflag:s4] =	dma.local [hbm:s3], $0xF7A  }
0x26: {  	[smem:$0x3F96] =	sst s1;
	(tag) =	ssettag s2;
	_ =	strace s9  }
0x27: {  	s1 =	sld [smem:$0x3FA6]  }
0x28: {  	s2 =	sld [smem:$0x3FA7]  }
0x29: {  	s4 =	sld [smem:$0x3FA9]  }
0x2a: {  	p0 =	seq.s32 s5, $0x0;
	s5 =	sld [smem:$0x3FAA]  }
0x2b: {  	s6 =	sld [smem:$0x3FAB]  }
0x2c: {  	s7 =	sld [smem:$0x3FAC]  }
0x2d: {  	s3 =	simm.s32 $0x108;
	s8 =	sld [smem:$0x3FAD]  }
0x2e: {  	s3 =	simm.s32 @!p0 $0x1082;
	s9 =	sld [smem:$0x3FAE]  }
0x2f: {  	lr =	sadd.s32 s0, s3;
	s0 =	sld [smem:$0x3FA5]  }
0x30: {  	s3 =	sld [smem:$0x3FA8]  }
0x31: {  	[smem:$0x3FB1] =	sst s10  }
0x32: {  	s10 =	sld [smem:$0x3FAF];
	_ =	sdelay $0x3  }
0x33: {  	p0 =	seq.s32 s10, $0x1;
	s10 =	sld [smem:$0x3FB1];
	_ =	sdelay $0x3  }
0x34: {  	[smem:$0x3FB1] =	sst s10  }
0x35: {  	s10 =	sld [smem:$0x3FB0];
	_ =	sdelay $0x3  }
0x36: {  	p1 =	seq.s32 s10, $0x1;
	s10 =	sld [smem:$0x3FB1];
	_ =	sdelay $0x3  }
0x37: {  	[smem:$0x3FB1] =	sst s10  }
0x38: {  	s10 =	sld [smem:$0x3FB2]  }
0x39: {  	_ = 	snop;
	(pc) =	sbr.ind lr, $3  }
0x3a: {  	_ = 	snop  }
0x3b: {  	_ = 	snop  }
0x3c: {  	p2 =	seq.s32 s10, $0x1;
	s10 =	sld [smem:$0x3FB1]  }
0x3d: {  	_ =	shalt  }
0x3e: {  	_ =	shalt  }
0x3f: {  	_ =	shalt  }
0x40: {  	_ =	shalt  }
0x41: {  	_ =	shalt  }
0x42: {  	_ =	shalt  }
0x43: {  	_ =	shalt  }
0x44: {  	_ =	shalt  }
0x45: {  	_ =	shalt  }
0x46: {  	_ =	shalt  }
0x47: {  	_ =	shalt  }
0x48: {  	_ =	shalt  }
0x49: {  	_ =	shalt  }
0x4a: {  	_ =	shalt  }
0x4b: {  	_ =	shalt  }
0x4c: {  	_ =	shalt  }
0x4d: {  	_ =	shalt  }
0x4e: {  	_ =	shalt  }
0x4f: {  	_ =	shalt  }
0x50: {  	_ =	shalt  }
0x51: {  	_ =	shalt  }
0x52: {  	_ =	shalt  }
0x53: {  	_ =	shalt  }
0x54: {  	_ =	shalt  }
0x55: {  	_ =	shalt  }
0x56: {  	_ =	shalt  }
0x57: {  	_ =	shalt  }
0x58: {  	_ =	shalt  }
0x59: {  	_ =	shalt  }
0x5a: {  	_ =	shalt  }
0x5b: {  	_ =	shalt  }
0x5c: {  	_ =	shalt  }
0x5d: {  	_ =	shalt  }
0x5e: {  	_ =	shalt  }
0x5f: {  	_ =	shalt  }
0x60: {  	_ =	shalt  }
0x61: {  	_ =	shalt  }
0x62: {  	_ =	shalt  }
0x63: {  	_ =	shalt  }
0x64: {  	_ =	shalt  }
0x65: {  	_ =	shalt  }
0x66: {  	_ =	shalt  }
0x67: {  	_ =	shalt  }
0x68: {  	_ =	shalt  }
0x69: {  	_ =	shalt  }
0x6a: {  	_ =	shalt  }
0x6b: {  	_ =	shalt  }
0x6c: {  	_ =	shalt  }
0x6d: {  	_ =	shalt  }
0x6e: {  	_ =	shalt  }
0x6f: {  	_ =	shalt  }
0x70: {  	_ =	shalt  }
0x71: {  	_ =	shalt  }
0x72: {  	_ =	shalt  }
0x73: {  	_ =	shalt  }
0x74: {  	_ =	shalt  }
0x75: {  	_ =	shalt  }
0x76: {  	_ =	shalt  }
0x77: {  	_ =	shalt  }
0x78: {  	_ =	shalt  }
0x79: {  	_ =	shalt  }
0x7a: {  	_ =	shalt  }
0x7b: {  	_ =	shalt  }
0x7c: {  	_ =	shalt  }
0x7d: {  	_ =	shalt  }
0x7e: {  	_ =	shalt  }
0x7f: {  	_ =	shalt  }
0x80: {  	_ =	shalt  }
0x81: {  	_ =	shalt  }
0x82: {  	_ =	shalt  }
0x83: {  	_ =	shalt  }
0x84: {  	_ =	shalt  }
0x85: {  	_ =	shalt  }
0x86: {  	_ =	shalt  }
0x87: {  	_ =	shalt  }
.Lfunc_end0:
.L_simem_size_0:
called_computation.1_lowered:
.L_overlay_start_0:
0x88: {  	s0 =	sld [smem:$0x3FD9]  }
0x89: {  	s1 =	sld [smem:$0x3FFE];
	_ =	sdelay $0x3  }
0x8a: {  	s0 =	sadd.s32 s1, s0  }
0x8b: {  	[smem:$0x3FBD] =	sst s0  }
0x8c: {  	_ = 	snop  }
0x8d: {  	s0 =	sld [smem:$0x3FD0];
	(tm) =	ssettm $0x1  }
0x8e: {  	s16 =	sld [smem:$0x3FFB];
	_ =	sdelay $0x3  }
0x8f: {  	_ =	strace s16  }
0x90: {  	s1 =	sld [smem:$0x3FFC];
	_ =	sdelay $0x3  }
0x91: {  	_ =	strace s1  }
0x92: {  	s1 =	sld [smem:$0x3FFD];
	_ =	sdelay $0x3  }
0x93: {  	_ =	strace s1  }
0x94: {  	_ =	strace $0x8FFFFFFF  }
0x95: {  	s17 =	sld [smem:$0x3FDB];
	_ =	sdelay $0x1  }
0x96: {  	s2 =	simm.s32 $_scs_section_size  }
0x97: {  	s3 =	simm.s32 $_size__tile_overlayer_lowered;
	s4 =	simm.s32 $_tile_overlayer_lowered  }
0x98: {  	s20 =	simm.s32 $0x1BFF;
	s19 =	sshll.u32 s4, $0x1;
	s1 =	sadd.s32 s2, s17  }
0x99: {  	s5 =	simm.s32 $0x0;
	s18 =	sshll.u32 s3, $0x1;
	s3 =	sadd.s32 s19, s1  }
0x9a: {  	[timem:s5], [sflag:s20] =	dma.local [hbm:s3], s18  }
0x9b: {  	_ =	swait.ge [sflag:s20], s18  }
0x9c: {  	s2 =	ssub.s32 $0x0, s18;
	[sflag:s20] =	ssyncset.done $0x0  }
0x9d: {  	[sflag:s20] =	ssyncadd.s32 s2;
	_ =	sdelay $0x1  }
0x9e: {  	s21 =	simm.s32 $0x1B8B  }
0x9f: {  	_ =	swait.ge [sflag:s21], $0x1  }
0xa0: {  	[sflag:s21] =	ssyncset.done $0x0  }
0xa1: {  	s23 =	simm.s32 $0x1B8E;
	s22 =	sld [smem:$0x3FFE];
	[sflag:s21] =	ssyncadd.s32 $0xFFFFFFFF  }
0xa2: {  	s24 =	simm.s32 $execute0_lowered;
	[smem:$0x3FD2] =	sst s23  }
0xa3: {  	s3 =	sshll.u32 s24, $0x1;
	_ =	strace $0x80000049;
	[dreg:$0x1] =	wrdreg $0xFFFFFFFF  }
0xa4: {  	s25 =	simm.s32 $_size_execute0_lowered;
	s1 =	sadd.s32 s1, s3;
	[dreg:$0x0] =	wrdreg $0x0  }
0xa5: {  	s3 =	sshll.u32 s25, $0x1;
	[dreg:$0x2] =	wrdreg s1  }
0xa6: {  	[dreg:$0x3] =	wrdreg s3  }
0xa7: {  	[dreg:$0x4] =	wrdreg $0xC0  }
0xa8: {  	_ =	task [dreg:s5], $0x5FFFF  }
0xa9: {  	[dreg:$0x1] =	wrdreg $0xFFFFFFFF  }
0xaa: {  	[dreg:$0x0] =	wrdreg $0x60  }
0xab: {  	[dreg:$0x2] =	wrdreg s22  }
0xac: {  	[dreg:$0x3] =	wrdreg s0  }
0xad: {  	[dreg:$0x4] =	wrdreg $0xFA800  }
0xae: {  	[dreg:$0x5] =	wrdreg $0xFD000  }
0xaf: {  	[dreg:$0x6] =	wrdreg $0xFF800  }
0xb0: {  	[dreg:$0x7] =	wrdreg $0x9  }
0xb1: {  	_ =	task.clear_ibuf [dreg:s5], $0x8FFFF;
	_ =	strace $0x90000049  }
0xb2: {  	s26 =	simm.s32 $0x9;
	_ =	strace $0x8000004B  }
0xb3: {  	_ =	swait.ge [sflag:s26], $0x1  }
0xb4: {  	[sflag:s26] =	ssyncadd.s32 $0xFFFFFFFF  }
0xb5: {  	_ =	strace $0x9000004B  }
0xb6: {  	_ =	sfence  }
0xb7: {  	s28 =	sld [smem:$0x0];
	_ =	sdelay $0x1  }
0xb8: {  	s29 =	srdreg.scid  }
0xb9: {  	s30 =	sshll.u32 s29, $0xD;
	s31 =	sshrl.u32 s29, $0x2  }
0xba: {  	s2 =	sand.u32 $0x4000, s30;
	s1 =	sand.u32 $0x1, s29;
	s0 =	sadd.s32 s31, s28  }
0xbb: {  	s1 =	sor.u32 s2, s1;
	s0 =	sshll.u32 s0, $0x11  }
0xbc: {  	s0 =	sor.u32 s0, s1  }
0xbd: {  	s0 =	sadd.s32 $0x8F2B, s0  }
0xbe: {  	[sflag:s0] =	ssyncadd.remote.s32 $0x1  }
0xbf: {  	_ =	sfence.sel $0xFFFF  }
0xc0: {  	[dreg:$0x0] =	wrdreg $0xFFFFFFFF;
	(pc) =	sbr.abs _section_cstart, $3  }
0xc1: {  	[dreg:$0x1] =	wrdreg $0xFFFFFFFF  }
0xc2: {  	_ =	task.clear_ibuf [dreg:s5], $0x2FFFF;
	_ =	strace $0x9FFFFFFF  }
0xc3: {  	(tm) =	ssettm $0x7FFFFFFF  }
tec
execute0_lowered:
.L_overlay_start_1:
0x0: {  	(tag) =	ssettag $0x1  }
0x1: {  	s4 =	rddreg [dreg:$0x0]  }
0x2: {  	s5 =	rddreg [dreg:$0x1]  }
0x3: {  	s7 =	rddreg [dreg:$0x2]  }
0x4: {  	s6 =	rddreg [dreg:$0x3]  }
0x5: {  	s2 =	rddreg [dreg:$0x4];
	s1 =	stileid.u32  }
0x6: {  	s0 =	rddreg [dreg:$0x5];
	s9 =	simm.s32 $0x0;
	s3 =	smul.u32 $0xA00, s1  }
0x7: {  	[smem:$0x7FF] =	sst s9  }
0x8: {  	s8 =	simm.s32 $0x2;
	_ =	strace $0x8000004A;
	s5 =	sadd.s32 s5, s3  }
0x9: {  	[tilespmem:s9], [sflag:$0x2] =	stream.linear.gather [hbm4b:s5+s9], $0x5000, $0x38;
	[tilespmem:$0x10200] =	vst v63  }
0xa: {  	_ =	swait.ge [sflag:s8], $0x5000  }
0xb: {  	s30 =	sadd.s32 s3, s4;
	[sflag:s8] =	ssyncset.done $0x0  }
0xc: {  	s10 =	simm.s32 $0x5000;
	s5 =	sadd.s32 $0x273800, s30;
	[sflag:s8] =	ssyncadd.s32 $0xFFFFB000  }
0xd: {  	[tilespmem:s10], [sflag:$0x2] =	stream.linear.gather [hbm4b:s5+s9], $0x5000, $0x38;
	[tilespmem:$0x10200] =	vst v63  }
0xe: {  	_ =	swait.ge [sflag:s8], $0x5000  }
0xf: {  	[sflag:s8] =	ssyncset.done $0x0  }
0x10: {  	v0 =	vimm.f32 $1.000000000e+00;
	[sflag:s8] =	ssyncadd.s32 $0xFFFFB000  }
0x11: {  	[tilespmem:$0xF000] =	vst v0  }
0x12: {  	[tilespmem:$0xF010] =	vst v0  }
0x13: {  	[tilespmem:$0xF020] =	vst v0  }
0x14: {  	[tilespmem:$0xF030] =	vst v0  }
0x15: {  	[tilespmem:$0xF040] =	vst v0  }
0x16: {  	[tilespmem:$0xF050] =	vst v0  }
0x17: {  	[tilespmem:$0xF060] =	vst v0  }
0x18: {  	v63 =	vimm.f32 $0.0e+00;
	[tilespmem:$0xF070] =	vst v0  }
0x19: {  	[tilespmem:$0xF080] =	vst v63  }
0x1a: {  	[tilespmem:$0xF090] =	vst v63  }
0x1b: {  	[tilespmem:$0xF0A0] =	vst v63  }
0x1c: {  	[tilespmem:$0xF0B0] =	vst v63  }
0x1d: {  	[tilespmem:$0xF0C0] =	vst v63  }
0x1e: {  	[tilespmem:$0xF0D0] =	vst v63  }
0x1f: {  	[tilespmem:$0xF0E0] =	vst v63  }
0x20: {  	[tilespmem:$0xF0F0] =	vst v63  }
0x21: {  	[tilespmem:$0xF100] =	vst v63  }
0x22: {  	[tilespmem:$0xF110] =	vst v63  }
0x23: {  	[tilespmem:$0xF120] =	vst v63  }
0x24: {  	[tilespmem:$0xF130] =	vst v63  }
0x25: {  	[tilespmem:$0xF140] =	vst v63  }
0x26: {  	[tilespmem:$0xF150] =	vst v63  }
0x27: {  	[tilespmem:$0xF160] =	vst v63  }
0x28: {  	[tilespmem:$0xF170] =	vst v63  }
0x29: {  	[tilespmem:$0xF180] =	vst v63  }
0x2a: {  	[tilespmem:$0xF190] =	vst v63  }
0x2b: {  	[tilespmem:$0xF1A0] =	vst v63  }
0x2c: {  	[tilespmem:$0xF1B0] =	vst v63  }
0x2d: {  	[tilespmem:$0xF1C0] =	vst v63  }
0x2e: {  	[tilespmem:$0xF1D0] =	vst v63  }
0x2f: {  	[tilespmem:$0xF1E0] =	vst v63  }
0x30: {  	[tilespmem:$0xF1F0] =	vst v63  }
0x31: {  	[tilespmem:$0xF200] =	vst v63  }
0x32: {  	[tilespmem:$0xF210] =	vst v63  }
0x33: {  	[tilespmem:$0xF220] =	vst v63  }
0x34: {  	[tilespmem:$0xF230] =	vst v63  }
0x35: {  	[tilespmem:$0xF240] =	vst v63  }
0x36: {  	[tilespmem:$0xF250] =	vst v63  }
0x37: {  	[tilespmem:$0xF260] =	vst v63  }
0x38: {  	[tilespmem:$0xF270] =	vst v63  }
0x39: {  	[tilespmem:$0xF280] =	vst v63  }
0x3a: {  	[tilespmem:$0xF290] =	vst v63  }
0x3b: {  	[tilespmem:$0xF2A0] =	vst v63  }
0x3c: {  	[tilespmem:$0xF2B0] =	vst v63  }
0x3d: {  	[tilespmem:$0xF2C0] =	vst v63  }
0x3e: {  	s5 =	smul.u32 $0x280, s1;
	[tilespmem:$0xF2D0] =	vst v63  }
0x3f: {  	[tilespmem:$0xF2E0] =	vst v63  }
0x40: {  	s11 =	simm.s32 $0xF080;
	s9 =	sadd.s32 s5, s7;
	[tilespmem:$0xF2F0] =	vst v63  }
0x41: {  	[spmem:s9] =	stream.linear.scatter [tilespmem:s11], [sflag:$0x2], $0x280, $0x38;
	[tilespmem:$0x10200] =	vst v63  }
0x42: {  	_ =	swait.ge [sflag:s8], $0x280  }
0x43: {  	[sflag:s8] =	ssyncset.done $0x0  }
0x44: {  	s10 =	sadd.s32 s5, s6;
	[sflag:s8] =	ssyncadd.s32 $0xFFFFFD80  }
0x45: {  	[spmem:s10] =	stream.linear.scatter [tilespmem:s11], [sflag:$0x2], $0x280, $0x38;
	[tilespmem:$0x10200] =	vst v63  }
0x46: {  	s13 =	simm.s32 $0x0;
	_ =	swait.ge [sflag:s8], $0x280  }
0x47: {  	s31 =	simm.s32 $0x5000;
	s12 =	simm.s32 $0xF000;
	[sflag:s8] =	ssyncset.done $0x0  }
0x48: {  	s14 =	simm.s32 $0x200;
	s11 =	simm.s32 $0x80;
	[sflag:s8] =	ssyncadd.s32 $0xFFFFFD80  }
0x49: {  	s8 =	sadd.s32 $0x2200, s4;
	s4 =	sadd.s32 $0x27D800, s4;
	[bflag:$0x0] =	sbarrier.arrive $0xFFFF  }
0x4a: {  	[spmem:s7] =	stream.indirect.scatter.add.f32 [tilespmem:s31], [sflag:$0x1], $0x1, s13, s11, $0xb8;
	[tilespmem:$0x10200] =	vst v63  }
.LBB2_1:
0x4b: {  	[spmem:s6] =	stream.indirect.scatter.add.f32 [tilespmem:s12], [sflag:$0x1], $0x1, s13, s11, $0xb8;
	[tilespmem:$0x10200] =	vst v63  }
0x4c: {  	p0 =	sne.s32 s14, $0x13E00  }
.Ltmp0:
0x4d: {  	s13 =	smov.u32 s14;
	(pc) =	sbr.rel @p0 .LBB2_1-.Ltmp0, $4  }
0x4e: {  	s14 =	sadd.s32 $0x200, s14  }
0x4f: {  	s13 =	sshra.s32 s13, $0x2  }
0x50: {  	s15 =	sadd.s32 $0x5000, s13  }
0x51: {  	[spmem:s7] =	stream.indirect.scatter.add.f32 [tilespmem:s15], [sflag:$0x1], $0x1, s13, s11, $0xb8;
	[tilespmem:$0x10200] =	vst v63  }
0x52: {  	[spmem:s6] =	stream.indirect.scatter.add.f32 [tilespmem:s12], [sflag:$0x1], $0x1, s13, s11, $0xb8;
	[tilespmem:$0x10200] =	vst v63  }
0x53: {  	s24 =	simm.s32 $0x1  }
0x54: {  	_ =	swait.ge [sflag:s24], $0x5000  }
0x55: {  	[sflag:s24] =	ssyncset.done $0x0  }
0x56: {  	[sflag:s24] =	ssyncadd.s32 $0xFFFFB000  }
0x57: {  	_ =	swait.ge [sflag:s24], $0x5000  }
0x58: {  	[sflag:s24] =	ssyncset.done $0x0  }
0x59: {  	[sflag:s24] =	ssyncadd.s32 $0xFFFFB000  }
0x5a: {  	s7 =	simm.s32 $0xF300;
	s25 =	simm.s32 $0x2;
	[bflag:$0x0] =	sbarrier.arrive $0xFFFF  }
0x5b: {  	[tilespmem:s7], [sflag:$0x2] =	stream.linear.gather [spmem:s9], $0x280, $0x38;
	[tilespmem:$0x10200] =	vst v63  }
0x5c: {  	_ =	swait.ge [sflag:s25], $0x280  }
0x5d: {  	[sflag:s25] =	ssyncset.done $0x0  }
0x5e: {  	s26 =	simm.s32 $0xF580;
	[sflag:s25] =	ssyncadd.s32 $0xFFFFFD80  }
0x5f: {  	[tilespmem:s26], [sflag:$0x2] =	stream.linear.gather [spmem:s10], $0x280, $0x38;
	[tilespmem:$0x10200] =	vst v63  }
0x60: {  	_ =	swait.ge [sflag:s25], $0x280  }
0x61: {  	s28 =	sshrl.u32 s5, $0x3;
	s29 =	simm.s32 $0x0;
	[sflag:s25] =	ssyncset.done $0x0  }
0x62: {  	s30 =	simm.s32 $0xF800;
	s8 =	sadd.s32 s8, s28;
	[sflag:s25] =	ssyncadd.s32 $0xFFFFFD80  }
0x63: {  	[tilespmem:s30], [sflag:$0x2] =	stream.linear.gather [hbm4b:s8+s29], $0x280, $0x38;
	[tilespmem:$0x10200] =	vst v63  }
0x64: {  	_ =	swait.ge [sflag:s25], $0x280  }
0x65: {  	[sflag:s25] =	ssyncset.done $0x0  }
0x66: {  	[sflag:s25] =	ssyncadd.s32 $0xFFFFFD80  }
0x67: {  	v9 =	vld [tilespmem:$0xF800]  }
0x68: {  	v10 =	vld [tilespmem:$0xF300]  }
0x69: {  	v0 =	vld [tilespmem:$0xF580]  }
0x6a: {  	v15 =	vld [tilespmem:$0xF810]  }
0x6b: {  	v20 =	vld [tilespmem:$0xF310]  }
0x6c: {  	v1 =	vld [tilespmem:$0xF590]  }
0x6d: {  	v25 =	vld [tilespmem:$0xF820]  }
0x6e: {  	v29 =	vld [tilespmem:$0xF320]  }
0x6f: {  	v2 =	vld [tilespmem:$0xF5A0]  }
0x70: {  	v34 =	vld [tilespmem:$0xF830]  }
0x71: {  	v36 =	vld [tilespmem:$0xF330]  }
0x72: {  	v6 =	vld [tilespmem:$0xF5B0]  }
0x73: {  	v37 =	vld [tilespmem:$0xF840]  }
0x74: {  	v38 =	vld [tilespmem:$0xF340]  }
0x75: {  	v39 =	vld [tilespmem:$0xF5C0]  }
0x76: {  	v40 =	vld [tilespmem:$0xF850]  }
0x77: {  	v41 =	vld [tilespmem:$0xF350]  }
0x78: {  	v42 =	vld [tilespmem:$0xF5D0]  }
0x79: {  	v43 =	vld [tilespmem:$0xF860]  }
0x7a: {  	v44 =	vld [tilespmem:$0xF360]  }
0x7b: {  	v45 =	vld [tilespmem:$0xF5E0]  }
0x7c: {  	v46 =	vld [tilespmem:$0xF870]  }
0x7d: {  	v47 =	vld [tilespmem:$0xF370]  }
0x7e: {  	v48 =	vld [tilespmem:$0xF5F0]  }
0x7f: {  	v49 =	vld [tilespmem:$0xF880]  }
0x80: {  	v50 =	vld [tilespmem:$0xF380]  }
0x81: {  	v51 =	vld [tilespmem:$0xF600]  }
0x82: {  	v52 =	vld [tilespmem:$0xF890]  }
0x83: {  	v53 =	vld [tilespmem:$0xF390]  }
0x84: {  	v54 =	vld [tilespmem:$0xF610]  }
0x85: {  	v55 =	vld [tilespmem:$0xF8A0]  }
0x86: {  	v56 =	vld [tilespmem:$0xF3A0]  }
0x87: {  	v57 =	vld [tilespmem:$0xF620]  }
0x88: {  	v58 =	vld [tilespmem:$0xF8B0]  }
0x89: {  	v59 =	vld [tilespmem:$0xF3B0]  }
0x8a: {  	v60 =	vld [tilespmem:$0xF630]  }
0x8b: {  	v61 =	vld [tilespmem:$0xF8C0]  }
0x8c: {  	v62 =	vld [tilespmem:$0xF3C0]  }
0x8d: {  	v63 =	vld [tilespmem:$0xF640]  }
0x8e: {  	v21 =	vld [tilespmem:$0xF8D0]  }
0x8f: {  	v19 =	vld [tilespmem:$0xF3D0]  }
0x90: {  	v3 =	vld [tilespmem:$0xF650]  }
0x91: {  	v33 =	vld [tilespmem:$0xF8E0]  }
0x92: {  	v35 =	vld [tilespmem:$0xF3E0]  }
0x93: {  	v4 =	vld [tilespmem:$0xF660]  }
0x94: {  	v31 =	vld [tilespmem:$0xF8F0]  }
0x95: {  	v32 =	vld [tilespmem:$0xF3F0]  }
0x96: {  	v5 =	vld [tilespmem:$0xF670]  }
0x97: {  	v28 =	vld [tilespmem:$0xF900]  }
0x98: {  	v30 =	vld [tilespmem:$0xF400]  }
0x99: {  	v7 =	vld [tilespmem:$0xF680]  }
0x9a: {  	v26 =	vld [tilespmem:$0xF910]  }
0x9b: {  	v27 =	vld [tilespmem:$0xF410]  }
0x9c: {  	v8 =	vld [tilespmem:$0xF690]  }
0x9d: {  	v23 =	vld [tilespmem:$0xF920]  }
0x9e: {  	v24 =	vld [tilespmem:$0xF420]  }
0x9f: {  	v11 =	vld [tilespmem:$0xF6A0]  }
0xa0: {  	v12 =	vld [tilespmem:$0xF930]  }
0xa1: {  	v16 =	vld [tilespmem:$0xF430]  }
0xa2: {  	v22 =	vld [tilespmem:$0xF460]  }
0xa3: {  	v13 =	vld [tilespmem:$0xF940]  }
0xa4: {  	v17 =	vld [tilespmem:$0xF440]  }
0xa5: {  	v14 =	vld [tilespmem:$0xF950]  }
0xa6: {  	v18 =	vld [tilespmem:$0xF450]  }
0xa7: {  	[tilespmem:$0x1FF70] =	vst v22;
	v22 =	vld [tilespmem:$0xF470]  }
0xa8: {  	[tilespmem:$0x1FF00] =	vst v12;
	v12 =	vld [tilespmem:$0xF6B0]  }
0xa9: {  	[tilespmem:$0x1FF20] =	vst v13;
	v13 =	vld [tilespmem:$0xF6C0]  }
0xaa: {  	[tilespmem:$0x1FF40] =	vst v14;
	v14 =	vld [tilespmem:$0xF6D0]  }
0xab: {  	[tilespmem:$0x1FF10] =	vst v16;
	v16 =	vld [tilespmem:$0xF960]  }
0xac: {  	[tilespmem:$0x1FF90] =	vst v22;
	v22 =	vld [tilespmem:$0xF480]  }
0xad: {  	[tilespmem:$0x1FF30] =	vst v17;
	v17 =	vld [tilespmem:$0xF970]  }
0xae: {  	[tilespmem:$0x1FF50] =	vst v18;
	v18 =	vld [tilespmem:$0xF980]  }
0xaf: {  	(erf) = vrcp.f32 v0;
	v0 =	vld [tilespmem:$0xF710]  }
0xb0: {  	v9 =	vsub.f32 v9, v10;
	v10 =	vld [tilespmem:$0xF9D0]  }
0xb1: {  	[tilespmem:$0x1FFB0] =	vst v22;
	v22 =	vld [tilespmem:$0xF990]  }
0xb2: {  	v15 =	vsub.f32 v15, v20;
	v20 =	vld [tilespmem:$0xF9E0]  }
0xb3: {  	(erf) = vrcp.f32 v1;
	v1 =	vld [tilespmem:$0xF4A0]  }
0xb4: {  	(erf) = vrcp.f32 v2;
	v2 =	vld [tilespmem:$0xF720]  }
0xb5: {  	(erf) = vrcp.f32 v6;
	v6 =	vld [tilespmem:$0xF4B0]  }
0xb6: {  	[tilespmem:$0x1FFC0] =	vst v22;
	v22 =	vld [tilespmem:$0xF490]  }
0xb7: {  	(erf) = vrcp.f32 v39;
	v39 =	vld [tilespmem:$0xF9B0]  }
0xb8: {  	[tilespmem:$0x1FF60] =	vst v16;
	v16 =	vld [tilespmem:$0xF6E0]  }
0xb9: {  	[tilespmem:$0x1FF80] =	vst v17;
	v17 =	vld [tilespmem:$0xF6F0]  }
0xba: {  	[tilespmem:$0x1FFA0] =	vst v18;
	v18 =	vld [tilespmem:$0xF700]  }
0xbb: {  	(erf) = vrcp.f32 v42;
	[tilespmem:$0x1FFD0] =	vst v22;
	v22 =	vld [tilespmem:$0xF9A0]  }
0xbc: {  	v42 =	vld [tilespmem:$0xF9C0];
	(erf) = vrcp.f32 v45  }
0xbd: {  	v45 =	vld [tilespmem:$0xF730];
	(erf) = vrcp.f32 v48  }
0xbe: {  	v48 =	vld [tilespmem:$0xF740];
	(erf) = vrcp.f32 v51  }
0xbf: {  	[tilespmem:$0x1FFF0] =	vst v39;
	v39 =	vld [tilespmem:$0xF4C0];
	(erf) = vrcp.f32 v54  }
0xc0: {  	(erf) = vrcp.f32 v57;
	v57 =	vsub.f32 v37, v38;
	v37 =	vld [tilespmem:$0xF760];
	[tilespmem:$0x1FFE0] =	vst v22;
	v22 =	vpop (erf)  }
0xc1: {  	v9 =	vmul.f32 v22, v9;
	v22 =	vsub.f32 v21, v19;
	v19 =	vld [tilespmem:$0xFA30]  }
0xc2: {  	v54 =	vsub.f32 v25, v29;
	v29 =	vpop (erf);
	v21 =	vld [tilespmem:$0xF530]  }
0xc3: {  	v25 =	vmul.f32 v29, v15;
	v15 =	vld [tilespmem:$0xF4D0]  }
0xc4: {  	v29 =	vsub.f32 v34, v36;
	v51 =	vpop (erf);
	v36 =	vld [tilespmem:$0xF750]  }
0xc5: {  	(erf) = vrcp.f32 v60;
	v34 =	vld [tilespmem:$0xF4F0];
	v60 =	vpop (erf)  }
0xc6: {  	(erf) = vrcp.f32 v63;
	v63 =	vsub.f32 v40, v41;
	[tilespmem:$0xF300] =	vst v9;
	v9 =	vld [tilespmem:$0xF770];
	v29 =	vmul.f32 v60, v29;
	v40 =	vpop (erf)  }
0xc7: {  	v41 =	vsub.f32 v43, v44;
	[tilespmem:$0xF310] =	vst v25;
	v25 =	vld [tilespmem:$0xF4E0];
	v43 =	vpop (erf)  }
0xc8: {  	v44 =	vsub.f32 v46, v47;
	(erf) = vrcp.f32 v3;
	[tilespmem:$0xF330] =	vst v29;
	v46 =	vpop (erf);
	v29 =	vld [tilespmem:$0xF9F0]  }
0xc9: {  	(erf) = vrcp.f32 v4;
	v47 =	vmul.f32 v46, v41;
	v41 =	vsub.f32 v33, v35;
	v33 =	vld [tilespmem:$0x1FF60]  }
0xca: {  	v49 =	vsub.f32 v49, v50;
	v54 =	vmul.f32 v51, v54;
	(erf) = vrcp.f32 v5;
	v50 =	vpop (erf);
	v35 =	vld [tilespmem:$0x1FF70]  }
0xcb: {  	(erf) = vrcp.f32 v7;
	v51 =	vmul.f32 v50, v44;
	v50 =	vsub.f32 v28, v30;
	v28 =	vld [tilespmem:$0x1FF40]  }
0xcc: {  	v52 =	vsub.f32 v52, v53;
	(erf) = vrcp.f32 v8;
	v53 =	vpop (erf);
	v30 =	vld [tilespmem:$0x1FF50]  }
0xcd: {  	v55 =	vsub.f32 v55, v56;
	v56 =	vpop (erf);
	(erf) = vrcp.f32 v11;
	v11 =	vld [tilespmem:$0xFA00]  }
0xce: {  	v58 =	vsub.f32 v58, v59;
	v59 =	vpop (erf);
	(erf) = vrcp.f32 v12;
	v12 =	vld [tilespmem:$0xF500]  }
0xcf: {  	v3 =	vmul.f32 v40, v57;
	v57 =	vmul.f32 v56, v52;
	v56 =	vsub.f32 v23, v24;
	v23 =	vld [tilespmem:$0x1FF20]  }
0xd0: {  	v24 =	vld [tilespmem:$0x1FF30]  }
0xd1: {  	v61 =	vsub.f32 v61, v62;
	v62 =	vpop (erf);
	(erf) = vrcp.f32 v13;
	v13 =	vld [tilespmem:$0xF780]  }
0xd2: {  	v60 =	vmul.f32 v59, v55;
	v59 =	vld [tilespmem:$0x1FF00]  }
0xd3: {  	[tilespmem:$0xF320] =	vst v54;
	v4 =	vmul.f32 v43, v63;
	v38 =	vpop (erf);
	(erf) = vrcp.f32 v14;
	v14 =	vld [tilespmem:$0xFA10]  }
0xd4: {  	[tilespmem:$0xF340] =	vst v3;
	v63 =	vmul.f32 v62, v58;
	v62 =	vld [tilespmem:$0xF7A0]  }
0xd5: {  	[tilespmem:$0xF350] =	vst v4;
	v43 =	vpop (erf);
	(erf) = vrcp.f32 v16;
	v16 =	vld [tilespmem:$0xF510]  }
0xd6: {  	[tilespmem:$0xF3A0] =	vst v60;
	v60 =	vld [tilespmem:$0x1FF10]  }
0xd7: {  	[tilespmem:$0xF360] =	vst v47;
	v40 =	vmul.f32 v38, v61;
	v47 =	vpop (erf);
	(erf) = vrcp.f32 v17;
	v17 =	vld [tilespmem:$0xF790]  }
0xd8: {  	v54 =	vmul.f32 v53, v49;
	[tilespmem:$0xF370] =	vst v51;
	v44 =	vmul.f32 v43, v22;
	v22 =	vld [tilespmem:$0xF540]  }
0xd9: {  	[tilespmem:$0xF3C0] =	vst v40;
	v40 =	vld [tilespmem:$0x1FF80]  }
0xda: {  	[tilespmem:$0xF380] =	vst v54;
	v49 =	vmul.f32 v47, v41;
	v41 =	vld [tilespmem:$0x1FF90]  }
0xdb: {  	v46 =	vsub.f32 v31, v32;
	[tilespmem:$0xF390] =	vst v57;
	v51 =	vpop (erf);
	(erf) = vrcp.f32 v18;
	v47 =	vld [tilespmem:$0x1FFB0]  }
0xdc: {  	[tilespmem:$0xF3B0] =	vst v63;
	v54 =	vpop (erf);
	(erf) = vrcp.f32 v0;
	v0 =	vld [tilespmem:$0xFA20]  }
0xdd: {  	v53 =	vsub.f32 v26, v27;
	[tilespmem:$0xF3D0] =	vst v44;
	v52 =	vmul.f32 v51, v46;
	v46 =	vld [tilespmem:$0x1FFA0]  }
0xde: {  	v51 =	vld [tilespmem:$0x1FFC0];
	[tilespmem:$0xF3E0] =	vst v49;
	v55 =	vmul.f32 v54, v50;
	v57 =	vpop (erf);
	(erf) = vrcp.f32 v2  }
0xdf: {  	[tilespmem:$0xF3F0] =	vst v52;
	v58 =	vmul.f32 v57, v53;
	v7 =	vsub.f32 v59, v60;
	v61 =	vpop (erf);
	(erf) = vrcp.f32 v45;
	v52 =	vld [tilespmem:$0x1FFD0]  }
0xe0: {  	v5 =	vsub.f32 v23, v24;
	v60 =	vld [tilespmem:$0x1FFF0];
	[tilespmem:$0xF400] =	vst v55;
	v63 =	vmul.f32 v61, v56;
	v26 =	vpop (erf);
	(erf) = vrcp.f32 v48  }
0xe1: {  	v56 =	vld [tilespmem:$0x1FFE0];
	[tilespmem:$0xF410] =	vst v58;
	v27 =	vmul.f32 v26, v7;
	v7 =	vsub.f32 v28, v30;
	v31 =	vpop (erf);
	(erf) = vrcp.f32 v36  }
0xe2: {  	[tilespmem:$0xF420] =	vst v63;
	v32 =	vmul.f32 v31, v5;
	v5 =	vsub.f32 v33, v35;
	v36 =	vpop (erf);
	(erf) = vrcp.f32 v37;
	v37 =	vld [tilespmem:$0xF7B0]  }
0xe3: {  	v44 =	vld [tilespmem:$0xF7C0];
	[tilespmem:$0xF430] =	vst v27;
	v38 =	vmul.f32 v36, v7;
	v7 =	vsub.f32 v40, v41;
	v43 =	vpop (erf);
	(erf) = vrcp.f32 v9  }
0xe4: {  	v49 =	vld [tilespmem:$0xF7D0];
	[tilespmem:$0xF440] =	vst v32;
	v45 =	vmul.f32 v43, v5;
	v5 =	vsub.f32 v46, v47;
	v48 =	vpop (erf);
	(erf) = vrcp.f32 v13  }
0xe5: {  	v54 =	vld [tilespmem:$0xF7E0];
	[tilespmem:$0xF450] =	vst v38;
	v50 =	vmul.f32 v48, v7;
	v7 =	vsub.f32 v51, v52;
	v53 =	vpop (erf);
	(erf) = vrcp.f32 v17  }
0xe6: {  	v58 =	vld [tilespmem:$0xF7F0];
	v1 =	vsub.f32 v56, v1;
	[tilespmem:$0xF460] =	vst v45;
	v55 =	vmul.f32 v53, v5;
	v57 =	vpop (erf);
	(erf) = vrcp.f32 v62  }
0xe7: {  	v2 =	vld [tilespmem:$0xF520];
	v5 =	vsub.f32 v60, v6;
	[tilespmem:$0xF470] =	vst v50;
	v59 =	vmul.f32 v57, v7;
	v61 =	vpop (erf);
	(erf) = vrcp.f32 v37  }
0xe8: {  	v63 =	vsub.f32 v42, v39;
	v27 =	vld [tilespmem:$0xFA50];
	[tilespmem:$0xF480] =	vst v55;
	v1 =	vmul.f32 v61, v1;
	v18 =	vpop (erf);
	(erf) = vrcp.f32 v44  }
0xe9: {  	v24 =	vsub.f32 v10, v15;
	v41 =	vld [tilespmem:$0xF560];
	[tilespmem:$0xF490] =	vst v59;
	v23 =	vmul.f32 v18, v5;
	v26 =	vpop (erf);
	(erf) = vrcp.f32 v49  }
0xea: {  	v30 =	vsub.f32 v20, v25;
	v32 =	vld [tilespmem:$0xF550];
	[tilespmem:$0xF4A0] =	vst v1;
	v28 =	vmul.f32 v26, v63;
	v31 =	vpop (erf);
	(erf) = vrcp.f32 v54  }
0xeb: {  	v36 =	vsub.f32 v29, v34;
	v62 =	vld [tilespmem:$0xFA40];
	[tilespmem:$0xF4B0] =	vst v23;
	v33 =	vmul.f32 v31, v24;
	v35 =	vpop (erf);
	(erf) = vrcp.f32 v58  }
0xec: {  	v40 =	vsub.f32 v11, v12;
	v48 =	vld [tilespmem:$0xF570];
	v38 =	vpop (erf);
	[tilespmem:$0xF4C0] =	vst v28;
	v39 =	vmul.f32 v35, v30  }
0xed: {  	v37 =	vld [tilespmem:$0xFA60];
	v44 =	vsub.f32 v14, v16;
	v42 =	vpop (erf);
	[tilespmem:$0xF4D0] =	vst v33;
	v43 =	vmul.f32 v38, v36  }
0xee: {  	v0 =	vsub.f32 v0, v2;
	v45 =	vld [tilespmem:$0xFA70];
	v46 =	vpop (erf);
	[tilespmem:$0xF4E0] =	vst v39;
	v47 =	vmul.f32 v42, v40  }
0xef: {  	v51 =	vsub.f32 v19, v21;
	v49 =	vpop (erf);
	[tilespmem:$0xF4F0] =	vst v43;
	v50 =	vmul.f32 v46, v44  }
0xf0: {  	v53 =	vsub.f32 v62, v22;
	v52 =	vpop (erf);
	[tilespmem:$0xF500] =	vst v47;
	v0 =	vmul.f32 v49, v0  }
0xf1: {  	v56 =	vsub.f32 v27, v32;
	v54 =	vpop (erf);
	[tilespmem:$0xF510] =	vst v50;
	v55 =	vmul.f32 v52, v51  }
0xf2: {  	v59 =	vsub.f32 v37, v41;
	v57 =	vpop (erf);
	[tilespmem:$0xF520] =	vst v0;
	v58 =	vmul.f32 v54, v53  }
0xf3: {  	v2 =	vsub.f32 v45, v48;
	v60 =	vpop (erf);
	[tilespmem:$0xF530] =	vst v55;
	v61 =	vmul.f32 v57, v56  }
0xf4: {  	[tilespmem:$0xF540] =	vst v58;
	v62 =	vmul.f32 v60, v59;
	v63 =	vpop (erf)  }
0xf5: {  	[tilespmem:$0xF550] =	vst v61;
	v1 =	vmul.f32 v63, v2  }
0xf6: {  	[tilespmem:$0xF560] =	vst v62  }
0xf7: {  	s31 =	sadd.s32 s5, s2;
	[tilespmem:$0xF570] =	vst v1  }
0xf8: {  	[spmem:s31] =	stream.linear.scatter [tilespmem:s7], [sflag:$0x2], $0x280, $0x38;
	[tilespmem:$0x10200] =	vst v63  }
0xf9: {  	_ =	swait.ge [sflag:s25], $0x280  }
0xfa: {  	[sflag:s25] =	ssyncset.done $0x0  }
0xfb: {  	s5 =	simm.s32 $0x80;
	s6 =	simm.s32 $0x200;
	[sflag:s25] =	ssyncadd.s32 $0xFFFFFD80  }
0xfc: {  	s8 =	simm.s32 $0xA000;
	s7 =	simm.s32 $0x0;
	[bflag:$0x0] =	sbarrier.arrive $0xFFFF  }
.LBB2_3:
0xfd: {  	[tilespmem:s8], [sflag:$0x1] =	stream.indirect.gather [spmem:s2], $0x1, s7, s5, $0xb8;
	[tilespmem:$0x10200] =	vst v63  }
0xfe: {  	s7 =	smov.u32 s6;
	p0 =	sne.s32 s6, $0x13E00  }
.Ltmp1:
0xff: {  	s6 =	sadd.s32 $0x200, s6;
	(pc) =	sbr.rel @p0 .LBB2_3-.Ltmp1, $3  }
0x100: {  	_ =	sdelay $0x1  }
0x101: {  	s7 =	sshra.s32 s7, $0x2  }
0x102: {  	s8 =	sadd.s32 $0xA000, s7  }
0x103: {  	[tilespmem:s8], [sflag:$0x1] =	stream.indirect.gather [spmem:s2], $0x1, s7, s5, $0xb8;
	[tilespmem:$0x10200] =	vst v63  }
0x104: {  	s28 =	simm.s32 $0x1  }
0x105: {  	_ =	swait.ge [sflag:s28], $0x5000  }
0x106: {  	s3 =	sadd.s32 s4, s3;
	s29 =	simm.s32 $0x0;
	[sflag:s28] =	ssyncset.done $0x0  }
0x107: {  	s30 =	simm.s32 $0xA000;
	s31 =	simm.s32 $0x2;
	[sflag:s28] =	ssyncadd.s32 $0xFFFFB000  }
0x108: {  	[hbm4b:s3+s29] =	stream.linear.scatter [tilespmem:s30], [sflag:$0x2], $0x5000, $0x38;
	[tilespmem:$0x10200] =	vst v63  }
0x109: {  	_ =	swait.ge [sflag:s31], $0x5000  }
0x10a: {  	[sflag:s31] =	ssyncset.done $0x0  }
0x10b: {  	[sflag:s31] =	ssyncadd.s32 $0xFFFFB000  }
0x10c: {  	_ =	sfence.sel $0x180000  }
0x10d: {  	[bflag:$0x0] =	sbarrier.arrive $0xFFFF  }
0x10e: {  	p0 =	sne.s32 s1, $0x0;
	_ =	strace $0x9000004A  }
0x10f: {  	s0 =	sadd.s32 @!p0 $0x100000, s0;
	[bflag:$0x2] =	sbarrier.arrive $0xFFFF  }
0x110: {  	[sflag:s0] =	ssyncadd.tile.s32 @!p0 $0x1;
	_ =	shalt  }
.Lfunc_end2:
_tile_overlayer_lowered:
.L_overlay_start_2:
0x111: {  	(tag) =	ssettag $0x2  }
0x112: {  	s0 =	rddreg [dreg:$0x0];
	s2 =	stileid.u32  }
0x113: {  	s1 =	rddreg [dreg:$0x1];
	p0 =	sne.s32 s2, $0x0  }
0x114: {  	s3 =	rddreg [dreg:$0x2];
	[bflag:$0x3] =	sbarrier.arrive $0xFFFF;
	s2 =	simm.s32 @!p0 $0x1C02  }
0x115: {  	[timem:s3], [sflag:s2] =	dma.local @!p0 [hbm:s0], s1  }
0x116: {  	s0 =	simm.s32 @!p0 $0x2  }
0x117: {  	_ =	swait.ge @!p0 [sflag:s0], s1  }
0x118: {  	s1 =	ssub.s32 @!p0 $0x0, s1;
	[sflag:s0] =	ssyncset.done @!p0 $0x0  }
0x119: {  	[sflag:s0] =	ssyncadd.s32 @!p0 s1  }
0x11a: {  	[bflag:$0x3] =	sbarrier.arrive $0xFFFF  }
0x11b: {  	_ =	shalt  }

</sc_bundles>
